<compile_context>
chip_gen: v7x
topology: tpu7x:2x2x1
jax: 0.10.2.dev20260603
libtpu: 0.0.44.dev20260713+nightly
codegen_flags: <defaults>
</compile_context>

<pallas_src>
import jax
import jax.numpy as jnp
from jax import lax
from jax.experimental import pallas as pl
from jax.experimental.pallas import tpu as pltpu
from jax.experimental.pallas import tpu_sc as plsc

TAU = 1.0
B = 2048
E = 8
D_COND = 1024
D_NOISE = 128
D_IN = D_NOISE + D_COND
H = 1024
D_OUT = 56 * 30
D_PAD = 1792
BLOCK = 128
NBLK = 23
NSLOT = NBLK * BLOCK
BE_PAD = 128

NW = 32
TPW = B // NW



def _router_body(cond_ref, gum_ref, wr_ref, br_ref,
                 logits_ref, gates_ref, counts_ref, dest_ref, be_ref):
    eps = 1e-10
    logits = lax.dot_general(wr_ref[...], cond_ref[...],
                             (((1,), (1,)), ((), ())),
                             preferred_element_type=jnp.float32) + br_ref[...]
    logits_ref[...] = logits
    g = -jnp.log(-jnp.log(gum_ref[...] + eps) + eps)
    z = (logits + g) / TAU
    m = jnp.max(z, axis=0, keepdims=True)
    ez = jnp.exp(z - m)
    gates_ref[...] = ez / jnp.sum(ez, axis=0, keepdims=True)

    is_max = (z == m).astype(jnp.float32)
    ir = lax.broadcasted_iota(jnp.int32, (E, E), 0)
    ic = lax.broadcasted_iota(jnp.int32, (E, E), 1)
    l_incl = (ic <= ir).astype(jnp.float32)
    l_strict = (ic < ir).astype(jnp.float32)
    prefix = jnp.dot(l_incl, is_max, preferred_element_type=jnp.float32)
    onehot = is_max * (prefix == 1.0).astype(jnp.float32)

    counts = jnp.sum(onehot, axis=1, keepdims=True)
    counts_ref[...] = counts / B

    c = onehot
    k = 1
    while k < B:
        sh = jnp.concatenate([jnp.zeros((E, k), jnp.float32), c[:, : B - k]],
                             axis=1)
        c = c + sh
        k *= 2
    excl = c - onehot
    rank = jnp.sum(excl * onehot, axis=0, keepdims=True)

    nb = jnp.floor((counts + (BLOCK - 1)) * (1.0 / BLOCK))
    starts = jnp.dot(l_strict, nb, preferred_element_type=jnp.float32)
    ends = jnp.dot(l_incl, nb, preferred_element_type=jnp.float32)
    base = jnp.sum(onehot * starts, axis=0, keepdims=True) * BLOCK
    dest_ref[...] = (base + rank).astype(jnp.int32)

    total = jnp.sum(nb, axis=0, keepdims=True)
    biota = lax.broadcasted_iota(jnp.int32, (E, BE_PAD), 1).astype(jnp.float32)
    obi = jnp.minimum(biota, jnp.maximum(total - 1.0, 0.0))
    ge = (obi >= ends).astype(jnp.float32)
    be = jnp.minimum(jnp.sum(ge, axis=0, keepdims=True), E - 1)
    be_ref[...] = jnp.concatenate(
        [be, obi[:1]], axis=0).astype(jnp.int32)


def _router(cond, gum_t, wr_t, br_c):
    return pl.pallas_call(
        _router_body,
        out_shape=(
            jax.ShapeDtypeStruct((E, B), jnp.float32),
            jax.ShapeDtypeStruct((E, B), jnp.float32),
            jax.ShapeDtypeStruct((E, 1), jnp.float32),
            jax.ShapeDtypeStruct((1, B), jnp.int32),
            jax.ShapeDtypeStruct((2, BE_PAD), jnp.int32),
        ),
    )(cond, gum_t, wr_t, br_c)



def _dispatch_body(noise_hbm, cond_hbm, dest_hbm, xs_hbm, idx_v, rows_v, sem):
    wid = lax.axis_index("s") * 2 + lax.axis_index("c")
    base = wid * TPW
    pltpu.sync_copy(dest_hbm.at[pl.ds(base, TPW)], idx_v)
    pltpu.sync_copy(noise_hbm.at[pl.ds(base, TPW)],
                    rows_v.at[:, pl.ds(0, D_NOISE)])
    pltpu.sync_copy(cond_hbm.at[pl.ds(base, TPW)],
                    rows_v.at[:, pl.ds(D_NOISE, D_COND)])
    pltpu.async_copy(rows_v, xs_hbm.at[idx_v], sem).wait()


def _dispatch(noise, cond, dest):
    mesh = plsc.VectorSubcoreMesh(core_axis_name="c", subcore_axis_name="s",
                                  num_cores=2, num_subcores=16)
    return pl.kernel(
        _dispatch_body,
        out_type=jax.ShapeDtypeStruct((NSLOT, D_IN), jnp.float32),
        mesh=mesh,
        scratch_types=[
            pltpu.VMEM((TPW,), jnp.int32),
            pltpu.VMEM((TPW, D_IN), jnp.float32),
            pltpu.SemaphoreType.DMA,
        ],
    )(noise, cond, dest)


def _combine_body(ys_hbm, dest_hbm, out_hbm, idx_v, rows_v, sem):
    wid = lax.axis_index("s") * 2 + lax.axis_index("c")
    base = wid * TPW
    pltpu.sync_copy(dest_hbm.at[pl.ds(base, TPW)], idx_v)
    pltpu.async_copy(ys_hbm.at[idx_v], rows_v, sem).wait()
    pltpu.sync_copy(rows_v, out_hbm.at[pl.ds(base, TPW)])


def _combine(ys, dest):
    mesh = plsc.VectorSubcoreMesh(core_axis_name="c", subcore_axis_name="s",
                                  num_cores=2, num_subcores=16)
    return pl.kernel(
        _combine_body,
        out_type=jax.ShapeDtypeStruct((B, D_PAD), jnp.float32),
        mesh=mesh,
        scratch_types=[
            pltpu.VMEM((TPW,), jnp.int32),
            pltpu.VMEM((TPW, D_PAD), jnp.float32),
            pltpu.SemaphoreType.DMA,
        ],
    )(ys, dest)



def _experts_body(be_ref, xs_ref, w1_ref, b1_ref, w2t_ref, b2_ref, out_ref):
    i = pl.program_id(0)

    @pl.when(be_ref[1, i] == i)
    def _():
        h = jnp.dot(xs_ref[...], w1_ref[0],
                    preferred_element_type=jnp.float32) + b1_ref[0]
        h = jnp.maximum(h, 0.0)
        y = lax.dot_general(h, w2t_ref[0], (((1,), (1,)), ((), ())),
                            preferred_element_type=jnp.float32) + b2_ref[0]
        out_ref[:, :D_OUT] = jnp.tanh(y)


def _experts(be, xs, W1, b1r, W2t, b2r):
    grid_spec = pltpu.PrefetchScalarGridSpec(
        num_scalar_prefetch=1,
        grid=(NBLK,),
        in_specs=[
            pl.BlockSpec((BLOCK, D_IN), lambda i, be: (be[1, i], 0)),
            pl.BlockSpec((1, D_IN, H), lambda i, be: (be[0, i], 0, 0)),
            pl.BlockSpec((1, 1, H), lambda i, be: (be[0, i], 0, 0)),
            pl.BlockSpec((1, D_OUT, H), lambda i, be: (be[0, i], 0, 0)),
            pl.BlockSpec((1, 1, D_OUT), lambda i, be: (be[0, i], 0, 0)),
        ],
        out_specs=pl.BlockSpec((BLOCK, D_PAD), lambda i, be: (be[1, i], 0)),
    )
    return pl.pallas_call(
        _experts_body,
        grid_spec=grid_spec,
        out_shape=jax.ShapeDtypeStruct((NSLOT, D_PAD), jnp.float32),
    )(be, xs, W1, b1r, W2t, b2r)



def kernel(cond, noise, gumbel_u, W_router, b_router, W1, b1, W2, b2):
    logits_t, gates_t, counts_c, dest_t, be = _router(
        cond, gumbel_u.T, W_router.T, b_router.reshape(E, 1))
    dest = dest_t.reshape(B)
    xs = _dispatch(noise, cond, dest)
    ys = _experts(be, xs, W1, b1.reshape(E, 1, H),
                  jnp.swapaxes(W2, 1, 2), b2.reshape(E, 1, D_OUT))
    outp = _combine(ys, dest)
    return (outp[:, :D_OUT], gates_t.T, logits_t.T, counts_c.reshape(E))

# --- scband reference (transcript-rebuilt; emitter-appended) ---
"""Pipeline reference for scband-mo-ewrapper-43636867727709 (READ-ONLY COPY).

The authoritative reference and input builder live on the scoring server;
editing this copy changes nothing except your own understanding.
"""

import jax, jax.numpy as jnp
import numpy as np

TAU = 1.0  # gumbel-softmax temperature: max(tau_min, tau_start * tau_decay**epoch) at epoch 0


def setup_inputs(seed: int = 0) -> dict:
    key = jax.random.key(seed)
    ks = jax.random.split(key, 8)
    B, E, D_COND, D_NOISE, H, D_OUT = 2048, 8, 1024, 128, 1024, 56 * 30
    cond = jax.random.normal(ks[0], (B, D_COND), dtype=jnp.float32)
    noise = jax.random.normal(ks[1], (B, D_NOISE), dtype=jnp.float32)
    gumbel_u = jax.random.uniform(ks[2], (B, E), dtype=jnp.float32, minval=1e-6, maxval=1.0 - 1e-6)
    W_router = jax.random.normal(ks[3], (D_COND, E), dtype=jnp.float32) * 0.02
    b_router = jnp.zeros((E,), jnp.float32)
    W1 = jax.random.normal(ks[4], (E, D_NOISE + D_COND, H), dtype=jnp.float32) * 0.02
    b1 = jnp.zeros((E, H), jnp.float32)
    W2 = jax.random.normal(ks[5], (E, H, D_OUT), dtype=jnp.float32) * 0.02
    b2 = jnp.zeros((E, D_OUT), jnp.float32)
    return {"cond": cond, "noise": noise, "gumbel_u": gumbel_u,
            "W_router": W_router, "b_router": b_router,
            "W1": W1, "b1": b1, "W2": W2, "b2": b2}


def reference(cond, noise, gumbel_u, W_router, b_router, W1, b1, W2, b2):
    eps = 1e-10
    # router(cond, tau=tau, hard=False): gumbel-softmax gates + raw logits
    logits = cond @ W_router + b_router                      # [B, E]
    g = -jnp.log(-jnp.log(gumbel_u + eps) + eps)             # gumbel noise
    gates_soft = jax.nn.softmax((logits + g) / TAU, axis=-1) # [B, E]
    # idx = gates_soft.argmax(dim=1); hard one-hot + straight-through
    idx = jnp.argmax(gates_soft, axis=-1)                    # [B]
    E = gates_soft.shape[-1]
    gates_hard = jax.nn.one_hot(idx, E, dtype=gates_soft.dtype)
    gates = gates_hard + gates_soft - jax.lax.stop_gradient(gates_soft)
    # expert load statistics (class_counts / B) as in the original train_step
    class_counts = jnp.bincount(idx, length=E).astype(cond.dtype)
    class_counts_adjusted = class_counts / cond.shape[0]
    # per-expert generator: fake_images = G_i(noise, cond); dense dispatch-and-mask
    x = jnp.concatenate([noise, cond], axis=-1)              # [B, 1152]
    h = jax.nn.relu(jnp.einsum('bd,edh->ebh', x, W1) + b1[:, None, :])   # [E, B, H]
    expert_out = jnp.tanh(jnp.einsum('ebh,eho->ebo', h, W2) + b2[:, None, :])  # [E, B, D_OUT]
    # combine per-token expert output via straight-through hard gates
    fake_images = jnp.einsum('be,ebo->bo', gates, expert_out)  # [B, 1680]
    return fake_images, gates_soft, logits, class_counts_adjusted


if False:  # reference __main__ guard neutralized (emitter)
    out = reference(**setup_inputs())
    print([o.shape for o in out])

if __name__ == "__main__":
    import jax
    _d = setup_inputs()
    print(jax.jit(kernel)(*tuple(_d.values())))

</pallas_src>

<mosaic_0001>
#map = affine_map<(d0, d1) -> (0, 0)>
#map1 = affine_map<(d0, d1) -> (0)>
module attributes {stable_mosaic.version = 14 : i64} {
  func.func @_combine_body(%arg0: i32, %arg1: i32, %arg2: memref<2944x1792xf32, #tpu.memory_space<hbm>>, %arg3: memref<2048xi32, #tpu.memory_space<hbm>>, %arg4: memref<2048x1792xf32, #tpu.memory_space<hbm>>, %arg5: memref<64xi32, #tpu.memory_space<vmem>>, %arg6: memref<64x1792xf32, #tpu.memory_space<vmem>>, %arg7: memref<!tpu.dma_semaphore, #tpu.memory_space<semaphore_mem>>) attributes {dimension_semantics = [#tpu.dimension_semantics<core_parallel>, #tpu.dimension_semantics<subcore_parallel>], iteration_bounds = array<i64: 2, 16>, scalar_prefetch = 0 : i64, scratch_operands = 3 : i64, tpu.core_type = #tpu.core_type<sc_vector_subcore>, window_params = [{transform_indices = #map}, {transform_indices = #map1}, {transform_indices = #map}]} {
    %mul3A = arith.constant 2 : i32
    %mul3A_0 = arith.muli %arg1, %mul3A : i32
    %add3A = arith.addi %mul3A_0, %arg0 : i32
    %mul3A_1 = arith.constant 64 : i32
    %mul3A_2 = arith.muli %add3A, %mul3A_1 : i32
    "tpu.region"() ({
      %run_scoped3A = tpu.sem_alloc : memref<!tpu.dma_semaphore, #tpu.memory_space<semaphore_mem>>
      %dma_start3A_7 = tpu.memref_slice %arg3[%mul3A_2] : memref<2048xi32, #tpu.memory_space<hbm>> -> memref<64xi32, #tpu.memory_space<hbm>>
      %dma_start3A_8 = tpu.memref_slice %arg3[%mul3A_2] : memref<2048xi32, #tpu.memory_space<hbm>> -> memref<64xi32, #tpu.memory_space<hbm>>
      tpu.enqueue_dma source(%dma_start3A_8 : memref<64xi32, #tpu.memory_space<hbm>>) target(%arg5 : memref<64xi32, #tpu.memory_space<vmem>>) target_semaphore(%run_scoped3A : memref<!tpu.dma_semaphore, #tpu.memory_space<semaphore_mem>>)
      %dma_wait3A_9 = tpu.memref_slice %arg3[%mul3A_2] : memref<2048xi32, #tpu.memory_space<hbm>> -> memref<64xi32, #tpu.memory_space<hbm>>
      %dma_wait3A_10 = tpu.memref_slice %arg3[%mul3A_2] : memref<2048xi32, #tpu.memory_space<hbm>> -> memref<64xi32, #tpu.memory_space<hbm>>
      tpu.wait_dma2 semaphore(%run_scoped3A : memref<!tpu.dma_semaphore, #tpu.memory_space<semaphore_mem>>) src(%dma_wait3A_10 : memref<64xi32, #tpu.memory_space<hbm>>) dst(%arg5 : memref<64xi32, #tpu.memory_space<vmem>>)
      tpu.yield
    }) : () -> ()
    %dma_start3A = arith.constant 0 : i32
    %dma_start3A_3 = arith.constant 0 : i32
    %dma_start3A_4 = tpu.memref_slice %arg2[%dma_start3A, %dma_start3A_3] : memref<2944x1792xf32, #tpu.memory_space<hbm>> -> memref<2944x1792xf32, #tpu.memory_space<hbm>>
    tpu.enqueue_indirect_dma source(%dma_start3A_4 : memref<2944x1792xf32, #tpu.memory_space<hbm>>) target(%arg6 : memref<64x1792xf32, #tpu.memory_space<vmem>>) offsets(%arg5 : memref<64xi32, #tpu.memory_space<vmem>>) semaphore(%arg7 : memref<!tpu.dma_semaphore, #tpu.memory_space<semaphore_mem>>)
    %dma_wait3A = arith.constant 0 : i32
    %dma_wait3A_5 = arith.constant 0 : i32
    %dma_wait3A_6 = tpu.memref_slice %arg2[%dma_wait3A, %dma_wait3A_5] : memref<2944x1792xf32, #tpu.memory_space<hbm>> -> memref<2944x1792xf32, #tpu.memory_space<hbm>>
    tpu.wait_indirect_dma semaphore(%arg7 : memref<!tpu.dma_semaphore, #tpu.memory_space<semaphore_mem>>) src(%dma_wait3A_6 : memref<2944x1792xf32, #tpu.memory_space<hbm>>) dst(%arg6 : memref<64x1792xf32, #tpu.memory_space<vmem>>)
    "tpu.region"() ({
      %run_scoped3A = tpu.sem_alloc : memref<!tpu.dma_semaphore, #tpu.memory_space<semaphore_mem>>
      %dma_start3A_7 = arith.constant 0 : i32
      %dma_start3A_8 = tpu.memref_slice %arg4[%mul3A_2, %dma_start3A_7] : memref<2048x1792xf32, #tpu.memory_space<hbm>> -> memref<64x1792xf32, #tpu.memory_space<hbm>>
      %dma_start3A_9 = arith.constant 0 : i32
      %dma_start3A_10 = tpu.memref_slice %arg4[%mul3A_2, %dma_start3A_9] : memref<2048x1792xf32, #tpu.memory_space<hbm>> -> memref<64x1792xf32, #tpu.memory_space<hbm>>
      tpu.enqueue_dma source(%arg6 : memref<64x1792xf32, #tpu.memory_space<vmem>>) target(%dma_start3A_10 : memref<64x1792xf32, #tpu.memory_space<hbm>>) target_semaphore(%run_scoped3A : memref<!tpu.dma_semaphore, #tpu.memory_space<semaphore_mem>>)
      %dma_wait3A_11 = arith.constant 0 : i32
      %dma_wait3A_12 = tpu.memref_slice %arg4[%mul3A_2, %dma_wait3A_11] : memref<2048x1792xf32, #tpu.memory_space<hbm>> -> memref<64x1792xf32, #tpu.memory_space<hbm>>
      %dma_wait3A_13 = arith.constant 0 : i32
      %dma_wait3A_14 = tpu.memref_slice %arg4[%mul3A_2, %dma_wait3A_13] : memref<2048x1792xf32, #tpu.memory_space<hbm>> -> memref<64x1792xf32, #tpu.memory_space<hbm>>
      tpu.wait_dma2 semaphore(%run_scoped3A : memref<!tpu.dma_semaphore, #tpu.memory_space<semaphore_mem>>) src(%arg6 : memref<64x1792xf32, #tpu.memory_space<vmem>>) dst(%dma_wait3A_14 : memref<64x1792xf32, #tpu.memory_space<hbm>>)
      tpu.yield
    }) : () -> ()
    return
  }
}

#map = affine_map<(d0, d1) -> (0, 0)>
#map1 = affine_map<(d0, d1) -> (0)>
module attributes {stable_mosaic.version = 14 : i64} {
  func.func @_dispatch_body(%arg0: i32, %arg1: i32, %arg2: memref<2048x128xf32, #tpu.memory_space<hbm>>, %arg3: memref<2048x1024xf32, #tpu.memory_space<hbm>>, %arg4: memref<2048xi32, #tpu.memory_space<hbm>>, %arg5: memref<2944x1152xf32, #tpu.memory_space<hbm>>, %arg6: memref<64xi32, #tpu.memory_space<vmem>>, %arg7: memref<64x1152xf32, #tpu.memory_space<vmem>>, %arg8: memref<!tpu.dma_semaphore, #tpu.memory_space<semaphore_mem>>) attributes {dimension_semantics = [#tpu.dimension_semantics<core_parallel>, #tpu.dimension_semantics<subcore_parallel>], iteration_bounds = array<i64: 2, 16>, scalar_prefetch = 0 : i64, scratch_operands = 3 : i64, tpu.core_type = #tpu.core_type<sc_vector_subcore>, window_params = [{transform_indices = #map}, {transform_indices = #map}, {transform_indices = #map1}, {transform_indices = #map}]} {
    %mul3A = arith.constant 2 : i32
    %mul3A_0 = arith.muli %arg1, %mul3A : i32
    %add3A = arith.addi %mul3A_0, %arg0 : i32
    %mul3A_1 = arith.constant 64 : i32
    %mul3A_2 = arith.muli %add3A, %mul3A_1 : i32
    "tpu.region"() ({
      %run_scoped3A = tpu.sem_alloc : memref<!tpu.dma_semaphore, #tpu.memory_space<semaphore_mem>>
      %dma_start3A_7 = tpu.memref_slice %arg4[%mul3A_2] : memref<2048xi32, #tpu.memory_space<hbm>> -> memref<64xi32, #tpu.memory_space<hbm>>
      %dma_start3A_8 = tpu.memref_slice %arg4[%mul3A_2] : memref<2048xi32, #tpu.memory_space<hbm>> -> memref<64xi32, #tpu.memory_space<hbm>>
      tpu.enqueue_dma source(%dma_start3A_8 : memref<64xi32, #tpu.memory_space<hbm>>) target(%arg6 : memref<64xi32, #tpu.memory_space<vmem>>) target_semaphore(%run_scoped3A : memref<!tpu.dma_semaphore, #tpu.memory_space<semaphore_mem>>)
      %dma_wait3A_9 = tpu.memref_slice %arg4[%mul3A_2] : memref<2048xi32, #tpu.memory_space<hbm>> -> memref<64xi32, #tpu.memory_space<hbm>>
      %dma_wait3A_10 = tpu.memref_slice %arg4[%mul3A_2] : memref<2048xi32, #tpu.memory_space<hbm>> -> memref<64xi32, #tpu.memory_space<hbm>>
      tpu.wait_dma2 semaphore(%run_scoped3A : memref<!tpu.dma_semaphore, #tpu.memory_space<semaphore_mem>>) src(%dma_wait3A_10 : memref<64xi32, #tpu.memory_space<hbm>>) dst(%arg6 : memref<64xi32, #tpu.memory_space<vmem>>)
      tpu.yield
    }) : () -> ()
    "tpu.region"() ({
      %run_scoped3A = tpu.sem_alloc : memref<!tpu.dma_semaphore, #tpu.memory_space<semaphore_mem>>
      %dma_start3A_7 = arith.constant 0 : i32
      %dma_start3A_8 = arith.constant 0 : i32
      %dma_start3A_9 = tpu.memref_slice %arg7[%dma_start3A_7, %dma_start3A_8] : memref<64x1152xf32, #tpu.memory_space<vmem>> -> memref<64x128xf32, #tpu.memory_space<vmem>>
      %dma_start3A_10 = arith.constant 0 : i32
      %dma_start3A_11 = tpu.memref_slice %arg2[%mul3A_2, %dma_start3A_10] : memref<2048x128xf32, #tpu.memory_space<hbm>> -> memref<64x128xf32, #tpu.memory_space<hbm>>
      %dma_start3A_12 = arith.constant 0 : i32
      %dma_start3A_13 = arith.constant 0 : i32
      %dma_start3A_14 = tpu.memref_slice %arg7[%dma_start3A_12, %dma_start3A_13] : memref<64x1152xf32, #tpu.memory_space<vmem>> -> memref<64x128xf32, #tpu.memory_space<vmem>>
      %dma_start3A_15 = arith.constant 0 : i32
      %dma_start3A_16 = tpu.memref_slice %arg2[%mul3A_2, %dma_start3A_15] : memref<2048x128xf32, #tpu.memory_space<hbm>> -> memref<64x128xf32, #tpu.memory_space<hbm>>
      tpu.enqueue_dma source(%dma_start3A_16 : memref<64x128xf32, #tpu.memory_space<hbm>>) target(%dma_start3A_14 : memref<64x128xf32, #tpu.memory_space<vmem>>) target_semaphore(%run_scoped3A : memref<!tpu.dma_semaphore, #tpu.memory_space<semaphore_mem>>)
      %dma_wait3A_17 = arith.constant 0 : i32
      %dma_wait3A_18 = arith.constant 0 : i32
      %dma_wait3A_19 = tpu.memref_slice %arg7[%dma_wait3A_17, %dma_wait3A_18] : memref<64x1152xf32, #tpu.memory_space<vmem>> -> memref<64x128xf32, #tpu.memory_space<vmem>>
      %dma_wait3A_20 = arith.constant 0 : i32
      %dma_wait3A_21 = tpu.memref_slice %arg2[%mul3A_2, %dma_wait3A_20] : memref<2048x128xf32, #tpu.memory_space<hbm>> -> memref<64x128xf32, #tpu.memory_space<hbm>>
      %dma_wait3A_22 = arith.constant 0 : i32
      %dma_wait3A_23 = arith.constant 0 : i32
      %dma_wait3A_24 = tpu.memref_slice %arg7[%dma_wait3A_22, %dma_wait3A_23] : memref<64x1152xf32, #tpu.memory_space<vmem>> -> memref<64x128xf32, #tpu.memory_space<vmem>>
      %dma_wait3A_25 = arith.constant 0 : i32
      %dma_wait3A_26 = tpu.memref_slice %arg2[%mul3A_2, %dma_wait3A_25] : memref<2048x128xf32, #tpu.memory_space<hbm>> -> memref<64x128xf32, #tpu.memory_space<hbm>>
      tpu.wait_dma2 semaphore(%run_scoped3A : memref<!tpu.dma_semaphore, #tpu.memory_space<semaphore_mem>>) src(%dma_wait3A_26 : memref<64x128xf32, #tpu.memory_space<hbm>>) dst(%dma_wait3A_24 : memref<64x128xf32, #tpu.memory_space<vmem>>)
      tpu.yield
    }) : () -> ()
    "tpu.region"() ({
      %run_scoped3A = tpu.sem_alloc : memref<!tpu.dma_semaphore, #tpu.memory_space<semaphore_mem>>
      %dma_start3A_7 = arith.constant 0 : i32
      %dma_start3A_8 = arith.constant 128 : i32
      %dma_start3A_9 = tpu.memref_slice %arg7[%dma_start3A_7, %dma_start3A_8] : memref<64x1152xf32, #tpu.memory_space<vmem>> -> memref<64x1024xf32, #tpu.memory_space<vmem>>
      %dma_start3A_10 = arith.constant 0 : i32
      %dma_start3A_11 = tpu.memref_slice %arg3[%mul3A_2, %dma_start3A_10] : memref<2048x1024xf32, #tpu.memory_space<hbm>> -> memref<64x1024xf32, #tpu.memory_space<hbm>>
      %dma_start3A_12 = arith.constant 0 : i32
      %dma_start3A_13 = arith.constant 128 : i32
      %dma_start3A_14 = tpu.memref_slice %arg7[%dma_start3A_12, %dma_start3A_13] : memref<64x1152xf32, #tpu.memory_space<vmem>> -> memref<64x1024xf32, #tpu.memory_space<vmem>>
      %dma_start3A_15 = arith.constant 0 : i32
      %dma_start3A_16 = tpu.memref_slice %arg3[%mul3A_2, %dma_start3A_15] : memref<2048x1024xf32, #tpu.memory_space<hbm>> -> memref<64x1024xf32, #tpu.memory_space<hbm>>
      tpu.enqueue_dma source(%dma_start3A_16 : memref<64x1024xf32, #tpu.memory_space<hbm>>) target(%dma_start3A_14 : memref<64x1024xf32, #tpu.memory_space<vmem>>) target_semaphore(%run_scoped3A : memref<!tpu.dma_semaphore, #tpu.memory_space<semaphore_mem>>)
      %dma_wait3A_17 = arith.constant 0 : i32
      %dma_wait3A_18 = arith.constant 128 : i32
      %dma_wait3A_19 = tpu.memref_slice %arg7[%dma_wait3A_17, %dma_wait3A_18] : memref<64x1152xf32, #tpu.memory_space<vmem>> -> memref<64x1024xf32, #tpu.memory_space<vmem>>
      %dma_wait3A_20 = arith.constant 0 : i32
      %dma_wait3A_21 = tpu.memref_slice %arg3[%mul3A_2, %dma_wait3A_20] : memref<2048x1024xf32, #tpu.memory_space<hbm>> -> memref<64x1024xf32, #tpu.memory_space<hbm>>
      %dma_wait3A_22 = arith.constant 0 : i32
      %dma_wait3A_23 = arith.constant 128 : i32
      %dma_wait3A_24 = tpu.memref_slice %arg7[%dma_wait3A_22, %dma_wait3A_23] : memref<64x1152xf32, #tpu.memory_space<vmem>> -> memref<64x1024xf32, #tpu.memory_space<vmem>>
      %dma_wait3A_25 = arith.constant 0 : i32
      %dma_wait3A_26 = tpu.memref_slice %arg3[%mul3A_2, %dma_wait3A_25] : memref<2048x1024xf32, #tpu.memory_space<hbm>> -> memref<64x1024xf32, #tpu.memory_space<hbm>>
      tpu.wait_dma2 semaphore(%run_scoped3A : memref<!tpu.dma_semaphore, #tpu.memory_space<semaphore_mem>>) src(%dma_wait3A_26 : memref<64x1024xf32, #tpu.memory_space<hbm>>) dst(%dma_wait3A_24 : memref<64x1024xf32, #tpu.memory_space<vmem>>)
      tpu.yield
    }) : () -> ()
    %dma_start3A = arith.constant 0 : i32
    %dma_start3A_3 = arith.constant 0 : i32
    %dma_start3A_4 = tpu.memref_slice %arg5[%dma_start3A, %dma_start3A_3] : memref<2944x1152xf32, #tpu.memory_space<hbm>> -> memref<2944x1152xf32, #tpu.memory_space<hbm>>
    tpu.enqueue_indirect_dma source(%arg7 : memref<64x1152xf32, #tpu.memory_space<vmem>>) target(%dma_start3A_4 : memref<2944x1152xf32, #tpu.memory_space<hbm>>) offsets(%arg6 : memref<64xi32, #tpu.memory_space<vmem>>) semaphore(%arg8 : memref<!tpu.dma_semaphore, #tpu.memory_space<semaphore_mem>>)
    %dma_wait3A = arith.constant 0 : i32
    %dma_wait3A_5 = arith.constant 0 : i32
    %dma_wait3A_6 = tpu.memref_slice %arg5[%dma_wait3A, %dma_wait3A_5] : memref<2944x1152xf32, #tpu.memory_space<hbm>> -> memref<2944x1152xf32, #tpu.memory_space<hbm>>
    tpu.wait_indirect_dma semaphore(%arg8 : memref<!tpu.dma_semaphore, #tpu.memory_space<semaphore_mem>>) src(%arg7 : memref<64x1152xf32, #tpu.memory_space<vmem>>) dst(%dma_wait3A_6 : memref<2944x1152xf32, #tpu.memory_space<hbm>>)
    return
  }
}

module attributes {stable_mosaic.version = 14 : i64} {
  func.func @_experts_body(%arg0: i32, %arg1: memref<2x128xi32, #tpu.memory_space<smem>>, %arg2: memref<128x1152xf32, #tpu.memory_space<vmem>>, %arg3: memref<1x1152x1024xf32, #tpu.memory_space<vmem>>, %arg4: memref<1x1x1024xf32, #tpu.memory_space<vmem>>, %arg5: memref<1x1680x1024xf32, #tpu.memory_space<vmem>>, %arg6: memref<1x1x1680xf32, #tpu.memory_space<vmem>>, %arg7: memref<128x1792xf32, #tpu.memory_space<vmem>>) attributes {dimension_semantics = [#tpu.dimension_semantics<arbitrary>], iteration_bounds = array<i64: 23>, scalar_prefetch = 1 : i64, scratch_operands = 0 : i64, tpu.core_type = #tpu.core_type<tc>, window_params = [{transform_indices = @transform_0, window_bounds = array<i64: 128, 1152>}, {transform_indices = @transform_1, window_bounds = array<i64: 1, 1152, 1024>}, {transform_indices = @transform_2, window_bounds = array<i64: 1, 1, 1024>}, {transform_indices = @transform_3, window_bounds = array<i64: 1, 1680, 1024>}, {transform_indices = @transform_4, window_bounds = array<i64: 1, 1, 1680>}, {transform_indices = @transform_5, window_bounds = array<i64: 128, 1792>}]} {
    %get3A = arith.constant 1 : index
    %get3A_0 = arith.index_cast %arg0 : i32 to index
    %get3A_1 = memref.load %arg1[%get3A, %get3A_0] : memref<2x128xi32, #tpu.memory_space<smem>>
    %eq3A = arith.cmpi eq, %get3A_1, %arg0 : i32
    %convert_element_type3A = arith.extui %eq3A : i1 to i32
    %cond3A = arith.constant 0 : i32
    %cond3A_2 = arith.cmpi ne, %convert_element_type3A, %cond3A : i32
    scf.if %cond3A_2 {
      %get3A_3 = arith.constant 0 : index
      %get3A_4 = arith.constant 0 : index
      %get3A_5 = vector.load %arg2[%get3A_3, %get3A_4] : memref<128x1152xf32, #tpu.memory_space<vmem>>, vector<128x1152xf32>
      %get3A_6 = arith.constant 0 : index
      %get3A_7 = arith.constant 0 : index
      %get3A_8 = arith.constant 0 : index
      %get3A_9 = vector.load %arg3[%get3A_6, %get3A_7, %get3A_8] : memref<1x1152x1024xf32, #tpu.memory_space<vmem>>, vector<1x1152x1024xf32>
      %get3A_10 = vector.shape_cast %get3A_9 : vector<1x1152x1024xf32> to vector<1152x1024xf32>
      %dot_general3A = arith.constant dense<0.000000e+00> : vector<128x1024xf32>
      %dot_general3A_11 = tpu.matmul %get3A_5, %get3A_10, %dot_general3A {dimension_numbers = #tpu.dot_dimension_numbers<[1], [0], [0], [1], [0, 0, 1, 1], [], []>, transpose_lhs_hint = false} : vector<128x1152xf32>, vector<1152x1024xf32>, vector<128x1024xf32> -> vector<128x1024xf32>
      %get3A_12 = arith.constant 0 : index
      %get3A_13 = arith.constant 0 : index
      %get3A_14 = arith.constant 0 : index
      %get3A_15 = vector.load %arg4[%get3A_12, %get3A_13, %get3A_14] : memref<1x1x1024xf32, #tpu.memory_space<vmem>>, vector<1x1x1024xf32>
      %get3A_16 = vector.shape_cast %get3A_15 : vector<1x1x1024xf32> to vector<1x1024xf32>
      %add3A = vector.broadcast %get3A_16 : vector<1x1024xf32> to vector<128x1024xf32>
      %add3A_17 = arith.addf %dot_general3A_11, %add3A : vector<128x1024xf32>
      %max3A = arith.constant 0.000000e+00 : f32
      %max3A_18 = vector.broadcast %max3A : f32 to vector<128x1024xf32>
      %max3A_19 = arith.maximumf %add3A_17, %max3A_18 : vector<128x1024xf32>
      %get3A_20 = arith.constant 0 : index
      %get3A_21 = arith.constant 0 : index
      %get3A_22 = arith.constant 0 : index
      %get3A_23 = vector.load %arg5[%get3A_20, %get3A_21, %get3A_22] : memref<1x1680x1024xf32, #tpu.memory_space<vmem>>, vector<1x1680x1024xf32>
      %get3A_24 = vector.shape_cast %get3A_23 : vector<1x1680x1024xf32> to vector<1680x1024xf32>
      %dot_general3A_25 = arith.constant dense<0.000000e+00> : vector<128x1680xf32>
      %dot_general3A_26 = tpu.matmul %max3A_19, %get3A_24, %dot_general3A_25 {dimension_numbers = #tpu.dot_dimension_numbers<[1], [1], [0], [0], [0, 0, 1, 0], [], []>, transpose_lhs_hint = false} : vector<128x1024xf32>, vector<1680x1024xf32>, vector<128x1680xf32> -> vector<128x1680xf32>
      %get3A_27 = arith.constant 0 : index
      %get3A_28 = arith.constant 0 : index
      %get3A_29 = arith.constant 0 : index
      %get3A_30 = vector.load %arg6[%get3A_27, %get3A_28, %get3A_29] : memref<1x1x1680xf32, #tpu.memory_space<vmem>>, vector<1x1x1680xf32>
      %get3A_31 = vector.shape_cast %get3A_30 : vector<1x1x1680xf32> to vector<1x1680xf32>
      %add3A_32 = vector.broadcast %get3A_31 : vector<1x1680xf32> to vector<128x1680xf32>
      %add3A_33 = arith.addf %dot_general3A_26, %add3A_32 : vector<128x1680xf32>
      %tanh3A = math.tanh %add3A_33 : vector<128x1680xf32>
      %swap3A = arith.constant 0 : index
      %swap3A_34 = arith.constant 0 : index
      %swap3A_35 = vector.load %arg7[%swap3A, %swap3A_34] : memref<128x1792xf32, #tpu.memory_space<vmem>>, vector<128x1680xf32>
      tpu.vector_store %arg7[%swap3A, %swap3A_34], %tanh3A {strides = array<i32>} : memref<128x1792xf32, #tpu.memory_space<vmem>>, vector<128x1680xf32>,
    } else {
    }
    return
  }
  func.func @transform_0(%arg0: i32, %arg1: memref<2x128xi32, #tpu.memory_space<smem>>) -> (i32, i32) {
    %get3A = arith.constant 1 : index
    %get3A_0 = arith.index_cast %arg0 : i32 to index
    %get3A_1 = memref.load %arg1[%get3A, %get3A_0] : memref<2x128xi32, #tpu.memory_space<smem>>
    %c0_i32 = arith.constant 0 : i32
    %c0_i32_2 = arith.constant 0 : i32
    return %get3A_1, %c0_i32 : i32, i32
  }
  func.func @transform_1(%arg0: i32, %arg1: memref<2x128xi32, #tpu.memory_space<smem>>) -> (i32, i32, i32) {
    %get3A = arith.constant 0 : index
    %get3A_0 = arith.index_cast %arg0 : i32 to index
    %get3A_1 = memref.load %arg1[%get3A, %get3A_0] : memref<2x128xi32, #tpu.memory_space<smem>>
    %c0_i32 = arith.constant 0 : i32
    %c0_i32_2 = arith.constant 0 : i32
    %c0_i32_3 = arith.constant 0 : i32
    return %get3A_1, %c0_i32, %c0_i32_2 : i32, i32, i32
  }
  func.func @transform_2(%arg0: i32, %arg1: memref<2x128xi32, #tpu.memory_space<smem>>) -> (i32, i32, i32) {
    %get3A = arith.constant 0 : index
    %get3A_0 = arith.index_cast %arg0 : i32 to index
    %get3A_1 = memref.load %arg1[%get3A, %get3A_0] : memref<2x128xi32, #tpu.memory_space<smem>>
    %c0_i32 = arith.constant 0 : i32
    %c0_i32_2 = arith.constant 0 : i32
    %c0_i32_3 = arith.constant 0 : i32
    return %get3A_1, %c0_i32, %c0_i32_2 : i32, i32, i32
  }
  func.func @transform_3(%arg0: i32, %arg1: memref<2x128xi32, #tpu.memory_space<smem>>) -> (i32, i32, i32) {
    %get3A = arith.constant 0 : index
    %get3A_0 = arith.index_cast %arg0 : i32 to index
    %get3A_1 = memref.load %arg1[%get3A, %get3A_0] : memref<2x128xi32, #tpu.memory_space<smem>>
    %c0_i32 = arith.constant 0 : i32
    %c0_i32_2 = arith.constant 0 : i32
    %c0_i32_3 = arith.constant 0 : i32
    return %get3A_1, %c0_i32, %c0_i32_2 : i32, i32, i32
  }
  func.func @transform_4(%arg0: i32, %arg1: memref<2x128xi32, #tpu.memory_space<smem>>) -> (i32, i32, i32) {
    %get3A = arith.constant 0 : index
    %get3A_0 = arith.index_cast %arg0 : i32 to index
    %get3A_1 = memref.load %arg1[%get3A, %get3A_0] : memref<2x128xi32, #tpu.memory_space<smem>>
    %c0_i32 = arith.constant 0 : i32
    %c0_i32_2 = arith.constant 0 : i32
    %c0_i32_3 = arith.constant 0 : i32
    return %get3A_1, %c0_i32, %c0_i32_2 : i32, i32, i32
  }
  func.func @transform_5(%arg0: i32, %arg1: memref<2x128xi32, #tpu.memory_space<smem>>) -> (i32, i32) {
    %get3A = arith.constant 1 : index
    %get3A_0 = arith.index_cast %arg0 : i32 to index
    %get3A_1 = memref.load %arg1[%get3A, %get3A_0] : memref<2x128xi32, #tpu.memory_space<smem>>
    %c0_i32 = arith.constant 0 : i32
    %c0_i32_2 = arith.constant 0 : i32
    return %get3A_1, %c0_i32 : i32, i32
  }
}

module attributes {stable_mosaic.version = 14 : i64} {
  func.func @_router_body(%arg0: memref<2048x1024xf32, #tpu.memory_space<vmem>>, %arg1: memref<8x2048xf32, #tpu.memory_space<vmem>>, %arg2: memref<8x1024xf32, #tpu.memory_space<vmem>>, %arg3: memref<8x1xf32, #tpu.memory_space<vmem>>, %arg4: memref<8x2048xf32, #tpu.memory_space<vmem>>, %arg5: memref<8x2048xf32, #tpu.memory_space<vmem>>, %arg6: memref<8x1xf32, #tpu.memory_space<vmem>>, %arg7: memref<1x2048xi32, #tpu.memory_space<vmem>>, %arg8: memref<2x128xi32, #tpu.memory_space<vmem>>) attributes {dimension_semantics = [], scalar_prefetch = 0 : i64, scratch_operands = 0 : i64, tpu.core_type = #tpu.core_type<tc>} {
    %get3A = arith.constant 0 : index
    %get3A_0 = arith.constant 0 : index
    %get3A_1 = vector.load %arg2[%get3A, %get3A_0] : memref<8x1024xf32, #tpu.memory_space<vmem>>, vector<8x1024xf32>
    %get3A_2 = arith.constant 0 : index
    %get3A_3 = arith.constant 0 : index
    %get3A_4 = vector.load %arg0[%get3A_2, %get3A_3] : memref<2048x1024xf32, #tpu.memory_space<vmem>>, vector<2048x1024xf32>
    %dot_general3A = arith.constant dense<0.000000e+00> : vector<8x2048xf32>
    %dot_general3A_5 = tpu.matmul %get3A_1, %get3A_4, %dot_general3A {dimension_numbers = #tpu.dot_dimension_numbers<[1], [1], [0], [0], [0, 0, 1, 0], [], []>, transpose_lhs_hint = false} : vector<8x1024xf32>, vector<2048x1024xf32>, vector<8x2048xf32> -> vector<8x2048xf32>
    %get3A_6 = arith.constant 0 : index
    %get3A_7 = arith.constant 0 : index
    %get3A_8 = vector.load %arg3[%get3A_6, %get3A_7] : memref<8x1xf32, #tpu.memory_space<vmem>>, vector<8x1xf32>
    %add3A = vector.broadcast %get3A_8 : vector<8x1xf32> to vector<8x2048xf32>
    %add3A_9 = arith.addf %dot_general3A_5, %add3A : vector<8x2048xf32>
    %swap3A = arith.constant 0 : index
    %swap3A_10 = arith.constant 0 : index
    %swap3A_11 = vector.load %arg4[%swap3A, %swap3A_10] : memref<8x2048xf32, #tpu.memory_space<vmem>>, vector<8x2048xf32>
    tpu.vector_store %arg4[%swap3A, %swap3A_10], %add3A_9 {strides = array<i32>} : memref<8x2048xf32, #tpu.memory_space<vmem>>, vector<8x2048xf32>,
    %get3A_12 = arith.constant 0 : index
    %get3A_13 = arith.constant 0 : index
    %get3A_14 = vector.load %arg1[%get3A_12, %get3A_13] : memref<8x2048xf32, #tpu.memory_space<vmem>>, vector<8x2048xf32>
    %add3A_15 = arith.constant 1.000000e-10 : f32
    %add3A_16 = vector.broadcast %add3A_15 : f32 to vector<8x2048xf32>
    %add3A_17 = arith.addf %get3A_14, %add3A_16 : vector<8x2048xf32>
    %log3A = math.log %add3A_17 : vector<8x2048xf32>
    %neg3A = arith.constant 0.000000e+00 : f32
    %neg3A_18 = vector.broadcast %neg3A : f32 to vector<8x2048xf32>
    %neg3A_19 = arith.subf %neg3A_18, %log3A : vector<8x2048xf32>
    %add3A_20 = arith.constant 1.000000e-10 : f32
    %add3A_21 = vector.broadcast %add3A_20 : f32 to vector<8x2048xf32>
    %add3A_22 = arith.addf %neg3A_19, %add3A_21 : vector<8x2048xf32>
    %log3A_23 = math.log %add3A_22 : vector<8x2048xf32>
    %neg3A_24 = arith.constant 0.000000e+00 : f32
    %neg3A_25 = vector.broadcast %neg3A_24 : f32 to vector<8x2048xf32>
    %neg3A_26 = arith.subf %neg3A_25, %log3A_23 : vector<8x2048xf32>
    %add3A_27 = arith.addf %add3A_9, %neg3A_26 : vector<8x2048xf32>
    %div3A = arith.constant 1.000000e+00 : f32
    %div3A_28 = vector.broadcast %div3A : f32 to vector<8x2048xf32>
    %div3A_29 = arith.divf %add3A_27, %div3A_28 : vector<8x2048xf32>
    %reduce_max3A = arith.constant dense<0xFF800000> : vector<2048xf32>
    %reduce_max3A_30 = vector.multi_reduction <maximumf>, %div3A_29, %reduce_max3A [0] : vector<8x2048xf32> to vector<2048xf32>
    %broadcast_in_dim3A = vector.shape_cast %reduce_max3A_30 : vector<2048xf32> to vector<1x2048xf32>
    %sub3A = vector.broadcast %broadcast_in_dim3A : vector<1x2048xf32> to vector<8x2048xf32>
    %sub3A_31 = arith.subf %div3A_29, %sub3A : vector<8x2048xf32>
    %exp3A = math.exp %sub3A_31 : vector<8x2048xf32>
    %reduce_sum3A = arith.constant dense<0.000000e+00> : vector<2048xf32>
    %reduce_sum3A_32 = vector.multi_reduction <add>, %exp3A, %reduce_sum3A [0] : vector<8x2048xf32> to vector<2048xf32>
    %broadcast_in_dim3A_33 = vector.shape_cast %reduce_sum3A_32 : vector<2048xf32> to vector<1x2048xf32>
    %div3A_34 = vector.broadcast %broadcast_in_dim3A_33 : vector<1x2048xf32> to vector<8x2048xf32>
    %div3A_35 = arith.divf %exp3A, %div3A_34 : vector<8x2048xf32>
    %swap3A_36 = arith.constant 0 : index
    %swap3A_37 = arith.constant 0 : index
    %swap3A_38 = vector.load %arg5[%swap3A_36, %swap3A_37] : memref<8x2048xf32, #tpu.memory_space<vmem>>, vector<8x2048xf32>
    tpu.vector_store %arg5[%swap3A_36, %swap3A_37], %div3A_35 {strides = array<i32>} : memref<8x2048xf32, #tpu.memory_space<vmem>>, vector<8x2048xf32>,
    %eq3A = vector.broadcast %broadcast_in_dim3A : vector<1x2048xf32> to vector<8x2048xf32>
    %eq3A_39 = arith.cmpf oeq, %div3A_29, %eq3A : vector<8x2048xf32>
    %convert_element_type3A = arith.extui %eq3A_39 : vector<8x2048xi1> to vector<8x2048xi32>
    %convert_element_type3A_40 = arith.sitofp %convert_element_type3A : vector<8x2048xi32> to vector<8x2048xf32>
    %iota3A = tpu.iota {dimensions = array<i32: 0>} : vector<8x8xi32>
    %iota3A_41 = tpu.iota {dimensions = array<i32: 1>} : vector<8x8xi32>
    %le3A = arith.cmpi sle, %iota3A_41, %iota3A : vector<8x8xi32>
    %convert_element_type3A_42 = arith.extui %le3A : vector<8x8xi1> to vector<8x8xi32>
    %convert_element_type3A_43 = arith.sitofp %convert_element_type3A_42 : vector<8x8xi32> to vector<8x8xf32>
    %lt3A = arith.cmpi slt, %iota3A_41, %iota3A : vector<8x8xi32>
    %convert_element_type3A_44 = arith.extui %lt3A : vector<8x8xi1> to vector<8x8xi32>
    %convert_element_type3A_45 = arith.sitofp %convert_element_type3A_44 : vector<8x8xi32> to vector<8x8xf32>
    %dot_general3A_46 = arith.constant dense<0.000000e+00> : vector<8x2048xf32>
    %dot_general3A_47 = tpu.matmul %convert_element_type3A_43, %convert_element_type3A_40, %dot_general3A_46 {dimension_numbers = #tpu.dot_dimension_numbers<[1], [0], [0], [1], [0, 0, 1, 1], [], []>, transpose_lhs_hint = false} : vector<8x8xf32>, vector<8x2048xf32>, vector<8x2048xf32> -> vector<8x2048xf32>
    %eq3A_48 = arith.constant 1.000000e+00 : f32
    %eq3A_49 = vector.broadcast %eq3A_48 : f32 to vector<8x2048xf32>
    %eq3A_50 = arith.cmpf oeq, %dot_general3A_47, %eq3A_49 : vector<8x2048xf32>
    %convert_element_type3A_51 = arith.extui %eq3A_50 : vector<8x2048xi1> to vector<8x2048xi32>
    %convert_element_type3A_52 = arith.sitofp %convert_element_type3A_51 : vector<8x2048xi32> to vector<8x2048xf32>
    %mul3A = arith.mulf %convert_element_type3A_40, %convert_element_type3A_52 : vector<8x2048xf32>
    %reduce_sum3A_53 = arith.constant dense<0.000000e+00> : vector<8xf32>
    %reduce_sum3A_54 = vector.multi_reduction <add>, %mul3A, %reduce_sum3A_53 [1] : vector<8x2048xf32> to vector<8xf32>
    %broadcast_in_dim3A_55 = vector.shape_cast %reduce_sum3A_54 : vector<8xf32> to vector<8x1xf32>
    %div3A_56 = arith.constant 2.048000e+03 : f32
    %div3A_57 = vector.broadcast %div3A_56 : f32 to vector<8x1xf32>
    %div3A_58 = arith.divf %broadcast_in_dim3A_55, %div3A_57 : vector<8x1xf32>
    %swap3A_59 = arith.constant 0 : index
    %swap3A_60 = arith.constant 0 : index
    %swap3A_61 = vector.load %arg6[%swap3A_59, %swap3A_60] : memref<8x1xf32, #tpu.memory_space<vmem>>, vector<8x1xf32>
    tpu.vector_store %arg6[%swap3A_59, %swap3A_60], %div3A_58 {strides = array<i32>} : memref<8x1xf32, #tpu.memory_space<vmem>>, vector<8x1xf32>,
    %broadcast_in_dim3A_62 = arith.constant 0.000000e+00 : f32
    %broadcast_in_dim3A_63 = vector.broadcast %broadcast_in_dim3A_62 : f32 to vector<8x1xf32>
    %slice3A = vector.extract_strided_slice %mul3A {offsets = [0, 0], sizes = [8, 2047], strides = [1, 1]} : vector<8x2048xf32> to vector<8x2047xf32>
    %concatenate3A = tpu.concatenate %broadcast_in_dim3A_63, %slice3A in 1 : vector<8x1xf32>, vector<8x2047xf32> -> vector<8x2048xf32>
    %add3A_64 = arith.addf %mul3A, %concatenate3A : vector<8x2048xf32>
    %broadcast_in_dim3A_65 = arith.constant 0.000000e+00 : f32
    %broadcast_in_dim3A_66 = vector.broadcast %broadcast_in_dim3A_65 : f32 to vector<8x2xf32>
    %slice3A_67 = vector.extract_strided_slice %add3A_64 {offsets = [0, 0], sizes = [8, 2046], strides = [1, 1]} : vector<8x2048xf32> to vector<8x2046xf32>
    %concatenate3A_68 = tpu.concatenate %broadcast_in_dim3A_66, %slice3A_67 in 1 : vector<8x2xf32>, vector<8x2046xf32> -> vector<8x2048xf32>
    %add3A_69 = arith.addf %add3A_64, %concatenate3A_68 : vector<8x2048xf32>
    %broadcast_in_dim3A_70 = arith.constant 0.000000e+00 : f32
    %broadcast_in_dim3A_71 = vector.broadcast %broadcast_in_dim3A_70 : f32 to vector<8x4xf32>
    %slice3A_72 = vector.extract_strided_slice %add3A_69 {offsets = [0, 0], sizes = [8, 2044], strides = [1, 1]} : vector<8x2048xf32> to vector<8x2044xf32>
    %concatenate3A_73 = tpu.concatenate %broadcast_in_dim3A_71, %slice3A_72 in 1 : vector<8x4xf32>, vector<8x2044xf32> -> vector<8x2048xf32>
    %add3A_74 = arith.addf %add3A_69, %concatenate3A_73 : vector<8x2048xf32>
    %broadcast_in_dim3A_75 = arith.constant 0.000000e+00 : f32
    %broadcast_in_dim3A_76 = vector.broadcast %broadcast_in_dim3A_75 : f32 to vector<8x8xf32>
    %slice3A_77 = vector.extract_strided_slice %add3A_74 {offsets = [0, 0], sizes = [8, 2040], strides = [1, 1]} : vector<8x2048xf32> to vector<8x2040xf32>
    %concatenate3A_78 = tpu.concatenate %broadcast_in_dim3A_76, %slice3A_77 in 1 : vector<8x8xf32>, vector<8x2040xf32> -> vector<8x2048xf32>
    %add3A_79 = arith.addf %add3A_74, %concatenate3A_78 : vector<8x2048xf32>
    %broadcast_in_dim3A_80 = arith.constant 0.000000e+00 : f32
    %broadcast_in_dim3A_81 = vector.broadcast %broadcast_in_dim3A_80 : f32 to vector<8x16xf32>
    %slice3A_82 = vector.extract_strided_slice %add3A_79 {offsets = [0, 0], sizes = [8, 2032], strides = [1, 1]} : vector<8x2048xf32> to vector<8x2032xf32>
    %concatenate3A_83 = tpu.concatenate %broadcast_in_dim3A_81, %slice3A_82 in 1 : vector<8x16xf32>, vector<8x2032xf32> -> vector<8x2048xf32>
    %add3A_84 = arith.addf %add3A_79, %concatenate3A_83 : vector<8x2048xf32>
    %broadcast_in_dim3A_85 = arith.constant 0.000000e+00 : f32
    %broadcast_in_dim3A_86 = vector.broadcast %broadcast_in_dim3A_85 : f32 to vector<8x32xf32>
    %slice3A_87 = vector.extract_strided_slice %add3A_84 {offsets = [0, 0], sizes = [8, 2016], strides = [1, 1]} : vector<8x2048xf32> to vector<8x2016xf32>
    %concatenate3A_88 = tpu.concatenate %broadcast_in_dim3A_86, %slice3A_87 in 1 : vector<8x32xf32>, vector<8x2016xf32> -> vector<8x2048xf32>
    %add3A_89 = arith.addf %add3A_84, %concatenate3A_88 : vector<8x2048xf32>
    %broadcast_in_dim3A_90 = arith.constant 0.000000e+00 : f32
    %broadcast_in_dim3A_91 = vector.broadcast %broadcast_in_dim3A_90 : f32 to vector<8x64xf32>
    %slice3A_92 = vector.extract_strided_slice %add3A_89 {offsets = [0, 0], sizes = [8, 1984], strides = [1, 1]} : vector<8x2048xf32> to vector<8x1984xf32>
    %concatenate3A_93 = tpu.concatenate %broadcast_in_dim3A_91, %slice3A_92 in 1 : vector<8x64xf32>, vector<8x1984xf32> -> vector<8x2048xf32>
    %add3A_94 = arith.addf %add3A_89, %concatenate3A_93 : vector<8x2048xf32>
    %broadcast_in_dim3A_95 = arith.constant 0.000000e+00 : f32
    %broadcast_in_dim3A_96 = vector.broadcast %broadcast_in_dim3A_95 : f32 to vector<8x128xf32>
    %slice3A_97 = vector.extract_strided_slice %add3A_94 {offsets = [0, 0], sizes = [8, 1920], strides = [1, 1]} : vector<8x2048xf32> to vector<8x1920xf32>
    %concatenate3A_98 = tpu.concatenate %broadcast_in_dim3A_96, %slice3A_97 in 1 : vector<8x128xf32>, vector<8x1920xf32> -> vector<8x2048xf32>
    %add3A_99 = arith.addf %add3A_94, %concatenate3A_98 : vector<8x2048xf32>
    %broadcast_in_dim3A_100 = arith.constant 0.000000e+00 : f32
    %broadcast_in_dim3A_101 = vector.broadcast %broadcast_in_dim3A_100 : f32 to vector<8x256xf32>
    %slice3A_102 = vector.extract_strided_slice %add3A_99 {offsets = [0, 0], sizes = [8, 1792], strides = [1, 1]} : vector<8x2048xf32> to vector<8x1792xf32>
    %concatenate3A_103 = tpu.concatenate %broadcast_in_dim3A_101, %slice3A_102 in 1 : vector<8x256xf32>, vector<8x1792xf32> -> vector<8x2048xf32>
    %add3A_104 = arith.addf %add3A_99, %concatenate3A_103 : vector<8x2048xf32>
    %broadcast_in_dim3A_105 = arith.constant 0.000000e+00 : f32
    %broadcast_in_dim3A_106 = vector.broadcast %broadcast_in_dim3A_105 : f32 to vector<8x512xf32>
    %slice3A_107 = vector.extract_strided_slice %add3A_104 {offsets = [0, 0], sizes = [8, 1536], strides = [1, 1]} : vector<8x2048xf32> to vector<8x1536xf32>
    %concatenate3A_108 = tpu.concatenate %broadcast_in_dim3A_106, %slice3A_107 in 1 : vector<8x512xf32>, vector<8x1536xf32> -> vector<8x2048xf32>
    %add3A_109 = arith.addf %add3A_104, %concatenate3A_108 : vector<8x2048xf32>
    %broadcast_in_dim3A_110 = arith.constant 0.000000e+00 : f32
    %broadcast_in_dim3A_111 = vector.broadcast %broadcast_in_dim3A_110 : f32 to vector<8x1024xf32>
    %slice3A_112 = vector.extract_strided_slice %add3A_109 {offsets = [0, 0], sizes = [8, 1024], strides = [1, 1]} : vector<8x2048xf32> to vector<8x1024xf32>
    %concatenate3A_113 = tpu.concatenate %broadcast_in_dim3A_111, %slice3A_112 in 1 : vector<8x1024xf32>, vector<8x1024xf32> -> vector<8x2048xf32>
    %add3A_114 = arith.addf %add3A_109, %concatenate3A_113 : vector<8x2048xf32>
    %sub3A_115 = arith.subf %add3A_114, %mul3A : vector<8x2048xf32>
    %mul3A_116 = arith.mulf %sub3A_115, %mul3A : vector<8x2048xf32>
    %reduce_sum3A_117 = arith.constant dense<0.000000e+00> : vector<2048xf32>
    %reduce_sum3A_118 = vector.multi_reduction <add>, %mul3A_116, %reduce_sum3A_117 [0] : vector<8x2048xf32> to vector<2048xf32>
    %broadcast_in_dim3A_119 = vector.shape_cast %reduce_sum3A_118 : vector<2048xf32> to vector<1x2048xf32>
    %add3A_120 = arith.constant 1.270000e+02 : f32
    %add3A_121 = vector.broadcast %add3A_120 : f32 to vector<8x1xf32>
    %add3A_122 = arith.addf %broadcast_in_dim3A_55, %add3A_121 : vector<8x1xf32>
    %mul3A_123 = arith.constant 7.812500e-03 : f32
    %mul3A_124 = vector.broadcast %mul3A_123 : f32 to vector<8x1xf32>
    %mul3A_125 = arith.mulf %add3A_122, %mul3A_124 : vector<8x1xf32>
    %floor3A = math.floor %mul3A_125 : vector<8x1xf32>
    %dot_general3A_126 = arith.constant dense<0.000000e+00> : vector<8x1xf32>
    %dot_general3A_127 = tpu.matmul %convert_element_type3A_45, %floor3A, %dot_general3A_126 {dimension_numbers = #tpu.dot_dimension_numbers<[1], [0], [0], [1], [0, 0, 1, 1], [], []>, transpose_lhs_hint = false} : vector<8x8xf32>, vector<8x1xf32>, vector<8x1xf32> -> vector<8x1xf32>
    %dot_general3A_128 = arith.constant dense<0.000000e+00> : vector<8x1xf32>
    %dot_general3A_129 = tpu.matmul %convert_element_type3A_43, %floor3A, %dot_general3A_128 {dimension_numbers = #tpu.dot_dimension_numbers<[1], [0], [0], [1], [0, 0, 1, 1], [], []>, transpose_lhs_hint = false} : vector<8x8xf32>, vector<8x1xf32>, vector<8x1xf32> -> vector<8x1xf32>
    %mul3A_130 = vector.broadcast %dot_general3A_127 : vector<8x1xf32> to vector<8x2048xf32>
    %mul3A_131 = arith.mulf %mul3A, %mul3A_130 : vector<8x2048xf32>
    %reduce_sum3A_132 = arith.constant dense<0.000000e+00> : vector<2048xf32>
    %reduce_sum3A_133 = vector.multi_reduction <add>, %mul3A_131, %reduce_sum3A_132 [0] : vector<8x2048xf32> to vector<2048xf32>
    %broadcast_in_dim3A_134 = vector.shape_cast %reduce_sum3A_133 : vector<2048xf32> to vector<1x2048xf32>
    %mul3A_135 = arith.constant 1.280000e+02 : f32
    %mul3A_136 = vector.broadcast %mul3A_135 : f32 to vector<1x2048xf32>
    %mul3A_137 = arith.mulf %broadcast_in_dim3A_134, %mul3A_136 : vector<1x2048xf32>
    %add3A_138 = arith.addf %mul3A_137, %broadcast_in_dim3A_119 : vector<1x2048xf32>
    %convert_element_type3A_139 = arith.fptosi %add3A_138 : vector<1x2048xf32> to vector<1x2048xi32>
    %swap3A_140 = arith.constant 0 : index
    %swap3A_141 = arith.constant 0 : index
    %swap3A_142 = vector.load %arg7[%swap3A_140, %swap3A_141] : memref<1x2048xi32, #tpu.memory_space<vmem>>, vector<1x2048xi32>
    tpu.vector_store %arg7[%swap3A_140, %swap3A_141], %convert_element_type3A_139 {strides = array<i32>} : memref<1x2048xi32, #tpu.memory_space<vmem>>, vector<1x2048xi32>,
    %reduce_sum3A_143 = arith.constant dense<0.000000e+00> : vector<1xf32>
    %reduce_sum3A_144 = vector.multi_reduction <add>, %floor3A, %reduce_sum3A_143 [0] : vector<8x1xf32> to vector<1xf32>
    %broadcast_in_dim3A_145 = vector.shape_cast %reduce_sum3A_144 : vector<1xf32> to vector<1x1xf32>
    %iota3A_146 = tpu.iota {dimensions = array<i32: 1>} : vector<8x128xi32>
    %convert_element_type3A_147 = arith.sitofp %iota3A_146 : vector<8x128xi32> to vector<8x128xf32>
    %sub3A_148 = arith.constant 1.000000e+00 : f32
    %sub3A_149 = vector.broadcast %sub3A_148 : f32 to vector<1x1xf32>
    %sub3A_150 = arith.subf %broadcast_in_dim3A_145, %sub3A_149 : vector<1x1xf32>
    %max3A = arith.constant 0.000000e+00 : f32
    %max3A_151 = vector.broadcast %max3A : f32 to vector<1x1xf32>
    %max3A_152 = arith.maximumf %sub3A_150, %max3A_151 : vector<1x1xf32>
    %min3A = vector.broadcast %max3A_152 : vector<1x1xf32> to vector<8x128xf32>
    %min3A_153 = arith.minimumf %convert_element_type3A_147, %min3A : vector<8x128xf32>
    %ge3A = vector.broadcast %dot_general3A_129 : vector<8x1xf32> to vector<8x128xf32>
    %ge3A_154 = arith.cmpf oge, %min3A_153, %ge3A : vector<8x128xf32>
    %convert_element_type3A_155 = arith.extui %ge3A_154 : vector<8x128xi1> to vector<8x128xi32>
    %convert_element_type3A_156 = arith.sitofp %convert_element_type3A_155 : vector<8x128xi32> to vector<8x128xf32>
    %reduce_sum3A_157 = arith.constant dense<0.000000e+00> : vector<128xf32>
    %reduce_sum3A_158 = vector.multi_reduction <add>, %convert_element_type3A_156, %reduce_sum3A_157 [0] : vector<8x128xf32> to vector<128xf32>
    %broadcast_in_dim3A_159 = vector.shape_cast %reduce_sum3A_158 : vector<128xf32> to vector<1x128xf32>
    %min3A_160 = arith.constant 7.000000e+00 : f32
    %min3A_161 = vector.broadcast %min3A_160 : f32 to vector<1x128xf32>
    %min3A_162 = arith.minimumf %broadcast_in_dim3A_159, %min3A_161 : vector<1x128xf32>
    %slice3A_163 = vector.extract_strided_slice %min3A_153 {offsets = [0, 0], sizes = [1, 128], strides = [1, 1]} : vector<8x128xf32> to vector<1x128xf32>
    %concatenate3A_164 = tpu.concatenate %min3A_162, %slice3A_163 in 0 : vector<1x128xf32>, vector<1x128xf32> -> vector<2x128xf32>
    %convert_element_type3A_165 = arith.fptosi %concatenate3A_164 : vector<2x128xf32> to vector<2x128xi32>
    %swap3A_166 = arith.constant 0 : index
    %swap3A_167 = arith.constant 0 : index
    %swap3A_168 = vector.load %arg8[%swap3A_166, %swap3A_167] : memref<2x128xi32, #tpu.memory_space<vmem>>, vector<2x128xi32>
    tpu.vector_store %arg8[%swap3A_166, %swap3A_167], %convert_element_type3A_165 {strides = array<i32>} : memref<2x128xi32, #tpu.memory_space<vmem>>, vector<2x128xi32>,
    return
  }
}

</mosaic_0001>

<sc_bundles>
// kernel: kernel.6.cloned.1.call-start
scs
__scs_entry_jumppad:
0x0: {  	(pc) =	sbr.rel $0x88, $3  }
0x1: {  	(tag) =	ssettag $0x0;
	lr =	simm.s32 $0x1  }
0x2: {  	[smem:$0x3F98] =	sst lr;
	_ =	strace $0xD0000000  }
0x3: {  	_ = 	snop  }
0x4: {  	_ = 	snop  }
0x5: {  	_ = 	snop  }
0x6: {  	_ = 	snop  }
0x7: {  	_ = 	snop  }
__scs_overlays_trampoline_lowered:
0x8: {  	[smem:$0x3FA7] =	sst s0  }
0x9: {  	[smem:$0x3FA8] =	sst s1  }
0xa: {  	[smem:$0x3FA9] =	sst s2  }
0xb: {  	[smem:$0x3FAA] =	sst s3  }
0xc: {  	[smem:$0x3FAB] =	sst s4  }
0xd: {  	[smem:$0x3FAC] =	sst s5  }
0xe: {  	[smem:$0x3FAD] =	sst s6  }
0xf: {  	[smem:$0x3FAE] =	sst s7  }
0x10: {  	[smem:$0x3FAF] =	sst s8  }
0x11: {  	[smem:$0x3FB0] =	sst s9;
	s0 =	simm.s32 @!p0 $0x0  }
0x12: {  	s1 =	sld [smem:$0x3F96];
	s0 =	simm.s32 @p0 $0x1  }
0x13: {  	[smem:$0x3FB1] =	sst s0;
	s0 =	simm.s32 @!p1 $0x0  }
0x14: {  	s2 =	sld [smem:$0x3F95];
	s0 =	simm.s32 @p1 $0x1  }
0x15: {  	[smem:$0x3FB2] =	sst s0;
	s0 =	simm.s32 @!p2 $0x0  }
0x16: {  	s3 =	sld [smem:$0x3FDB];
	s0 =	simm.s32 @p2 $0x1  }
0x17: {  	s4 =	simm.s32 $0x1BF5;
	[smem:$0x3FB4] =	sst s0  }
0x18: {  	s0 =	sld [smem:$0x3F97];
	_ =	swait.ge [sflag:s4], $0x0  }
0x19: {  	s7 =	sld [smem:$0x3F98]  }
0x1a: {  	s8 =	sadd.s32 $0xFFFFE003, lr  }
0x1b: {  	s9 =	sadd.s32 $0xFFFFFEF7, lr;
	s5 =	simm.s32 $0xFFFFFFFF;
	p2 =	slt.u32 s8, $0xFFFFF086  }
0x1c: {  	p1 =	slt.u32 s9, $0xF7A;
	s5 =	simm.s32 @!p2 $0x0  }
0x1d: {  	s5 =	simm.s32 @p1 $0x1;
	p0 =	seq.s32 s7, s2  }
0x1e: {  	s7 =	smul.u32 @!p0 $0xF7A, s2;
	p2 =	seq.s32 @!p0 s5, $0x0  }
0x1f: {  	s9 =	smul.u32 $0xF7A, s1;
	s8 =	simm.s32 @!p0 $0x1BF5;
	p2 =	por !p2, p0  }
0x20: {  	[sflag:s8] =	ssyncset.s32 @!p0 $0xFFFFF086;
	s6 =	sadd.s32 @!p0 s3, s7;
	s7 =	simm.s32 @!p0 $0x108  }
0x21: {  	s3 =	sadd.s32 s3, s9;
	s6 =	sadd.s32 @!p0 $0x88, s6;
	s7 =	simm.s32 @p2 $0x1082  }
0x22: {  	[simem:s7], [sflag:s8] =	dma.local @!p0 [hbm:s6], $0xF7A  }
0x23: {  	s9 =	sor.u32 $0xD0000000, s2;
	s6 =	simm.s32 $0x108;
	_ =	swait.ge @!p0 [sflag:s8], $0x0  }
0x24: {  	s3 =	sadd.s32 $0x88, s3;
	s6 =	simm.s32 @!p1 $0x1082;
	[sflag:s4] =	ssyncset.s32 $0xFFFFF086  }
0x25: {  	[simem:s6], [sflag:s4] =	dma.local [hbm:s3], $0xF7A  }
0x26: {  	[smem:$0x3F98] =	sst s1;
	(tag) =	ssettag s2;
	_ =	strace s9  }
0x27: {  	s1 =	sld [smem:$0x3FA8]  }
0x28: {  	s2 =	sld [smem:$0x3FA9]  }
0x29: {  	s4 =	sld [smem:$0x3FAB]  }
0x2a: {  	p0 =	seq.s32 s5, $0x0;
	s5 =	sld [smem:$0x3FAC]  }
0x2b: {  	s6 =	sld [smem:$0x3FAD]  }
0x2c: {  	s7 =	sld [smem:$0x3FAE]  }
0x2d: {  	s3 =	simm.s32 $0x108;
	s8 =	sld [smem:$0x3FAF]  }
0x2e: {  	s3 =	simm.s32 @!p0 $0x1082;
	s9 =	sld [smem:$0x3FB0]  }
0x2f: {  	lr =	sadd.s32 s0, s3;
	s0 =	sld [smem:$0x3FA7]  }
0x30: {  	s3 =	sld [smem:$0x3FAA]  }
0x31: {  	[smem:$0x3FB3] =	sst s10  }
0x32: {  	s10 =	sld [smem:$0x3FB1];
	_ =	sdelay $0x3  }
0x33: {  	p0 =	seq.s32 s10, $0x1;
	s10 =	sld [smem:$0x3FB3];
	_ =	sdelay $0x3  }
0x34: {  	[smem:$0x3FB3] =	sst s10  }
0x35: {  	s10 =	sld [smem:$0x3FB2];
	_ =	sdelay $0x3  }
0x36: {  	p1 =	seq.s32 s10, $0x1;
	s10 =	sld [smem:$0x3FB3];
	_ =	sdelay $0x3  }
0x37: {  	[smem:$0x3FB3] =	sst s10  }
0x38: {  	s10 =	sld [smem:$0x3FB4]  }
0x39: {  	_ = 	snop;
	(pc) =	sbr.ind lr, $3  }
0x3a: {  	_ = 	snop  }
0x3b: {  	_ = 	snop  }
0x3c: {  	p2 =	seq.s32 s10, $0x1;
	s10 =	sld [smem:$0x3FB3]  }
0x3d: {  	_ =	shalt  }
0x3e: {  	_ =	shalt  }
0x3f: {  	_ =	shalt  }
0x40: {  	_ =	shalt  }
0x41: {  	_ =	shalt  }
0x42: {  	_ =	shalt  }
0x43: {  	_ =	shalt  }
0x44: {  	_ =	shalt  }
0x45: {  	_ =	shalt  }
0x46: {  	_ =	shalt  }
0x47: {  	_ =	shalt  }
0x48: {  	_ =	shalt  }
0x49: {  	_ =	shalt  }
0x4a: {  	_ =	shalt  }
0x4b: {  	_ =	shalt  }
0x4c: {  	_ =	shalt  }
0x4d: {  	_ =	shalt  }
0x4e: {  	_ =	shalt  }
0x4f: {  	_ =	shalt  }
0x50: {  	_ =	shalt  }
0x51: {  	_ =	shalt  }
0x52: {  	_ =	shalt  }
0x53: {  	_ =	shalt  }
0x54: {  	_ =	shalt  }
0x55: {  	_ =	shalt  }
0x56: {  	_ =	shalt  }
0x57: {  	_ =	shalt  }
0x58: {  	_ =	shalt  }
0x59: {  	_ =	shalt  }
0x5a: {  	_ =	shalt  }
0x5b: {  	_ =	shalt  }
0x5c: {  	_ =	shalt  }
0x5d: {  	_ =	shalt  }
0x5e: {  	_ =	shalt  }
0x5f: {  	_ =	shalt  }
0x60: {  	_ =	shalt  }
0x61: {  	_ =	shalt  }
0x62: {  	_ =	shalt  }
0x63: {  	_ =	shalt  }
0x64: {  	_ =	shalt  }
0x65: {  	_ =	shalt  }
0x66: {  	_ =	shalt  }
0x67: {  	_ =	shalt  }
0x68: {  	_ =	shalt  }
0x69: {  	_ =	shalt  }
0x6a: {  	_ =	shalt  }
0x6b: {  	_ =	shalt  }
0x6c: {  	_ =	shalt  }
0x6d: {  	_ =	shalt  }
0x6e: {  	_ =	shalt  }
0x6f: {  	_ =	shalt  }
0x70: {  	_ =	shalt  }
0x71: {  	_ =	shalt  }
0x72: {  	_ =	shalt  }
0x73: {  	_ =	shalt  }
0x74: {  	_ =	shalt  }
0x75: {  	_ =	shalt  }
0x76: {  	_ =	shalt  }
0x77: {  	_ =	shalt  }
0x78: {  	_ =	shalt  }
0x79: {  	_ =	shalt  }
0x7a: {  	_ =	shalt  }
0x7b: {  	_ =	shalt  }
0x7c: {  	_ =	shalt  }
0x7d: {  	_ =	shalt  }
0x7e: {  	_ =	shalt  }
0x7f: {  	_ =	shalt  }
0x80: {  	_ =	shalt  }
0x81: {  	_ =	shalt  }
0x82: {  	_ =	shalt  }
0x83: {  	_ =	shalt  }
0x84: {  	_ =	shalt  }
0x85: {  	_ =	shalt  }
0x86: {  	_ =	shalt  }
0x87: {  	_ =	shalt  }
.Lfunc_end0:
.L_simem_size_0:
called_computation_lowered:
.L_overlay_start_0:
0x88: {  	s2 =	sld [smem:$0x3FD9]  }
0x89: {  	s3 =	sld [smem:$0x3FFE];
	_ =	sdelay $0x1  }
0x8a: {  	s1 =	srdreg.scid  }
0x8b: {  	s0 =	sand.u32 $0x1, s1  }
0x8c: {  	s14 =	sshll.u32 s0, $0xA;
	s2 =	sadd.s32 s3, s2  }
0x8d: {  	s2 =	sadd.s32 s2, s14  }
0x8e: {  	[smem:$0x3FBF] =	sst s2  }
0x8f: {  	_ = 	snop  }
0x90: {  	s2 =	sld [smem:$0x3FD0];
	_ =	sdelay $0x1  }
0x91: {  	s15 =	sld [smem:$0x3FC9]  }
0x92: {  	s5 =	simm.s32 $0xA;
	s6 =	simm.s32 $0x10;
	s4 =	sld [smem:$0x3FC8]  }
0x93: {  	[smem:s6], [sflag:s5] =	dma.local [hbm:s2], $0x1  }
0x94: {  	_ =	swait.eq [sflag:s5], $0x1  }
0x95: {  	[sflag:s5] =	ssyncset.done $0x0  }
0x96: {  	[sflag:s5] =	ssyncadd.s32 $0xFFFFFFFF  }
0x97: {  	s16 =	sld [smem:$0x10];
	(tm) =	ssettm $0x1  }
0x98: {  	s17 =	sld [smem:$0x3FFB];
	_ =	sdelay $0x3  }
0x99: {  	_ =	strace s17  }
0x9a: {  	s5 =	sld [smem:$0x3FFC];
	_ =	sdelay $0x3  }
0x9b: {  	_ =	strace s5  }
0x9c: {  	s5 =	sld [smem:$0x3FFD];
	_ =	sdelay $0x3  }
0x9d: {  	_ =	strace s5  }
0x9e: {  	_ =	strace $0x8FFFFFFF  }
0x9f: {  	s18 =	sld [smem:$0x3FDB];
	_ =	sdelay $0x1  }
0xa0: {  	s19 =	simm.s32 $_scs_section_size  }
0xa1: {  	s7 =	simm.s32 $_size__tile_overlayer_lowered;
	s8 =	simm.s32 $_tile_overlayer_lowered  }
0xa2: {  	s22 =	simm.s32 $0x1BFF;
	s21 =	sshll.u32 s8, $0x1;
	s5 =	sadd.s32 s19, s18  }
0xa3: {  	s9 =	simm.s32 $0x0;
	s20 =	sshll.u32 s7, $0x1;
	s7 =	sadd.s32 s21, s5  }
0xa4: {  	[timem:s9], [sflag:s22] =	dma.local [hbm:s7], s20  }
0xa5: {  	_ =	swait.ge [sflag:s22], s20  }
0xa6: {  	s6 =	ssub.s32 $0x0, s20;
	[sflag:s22] =	ssyncset.done $0x0  }
0xa7: {  	[sflag:s22] =	ssyncadd.s32 s6;
	_ =	sdelay $0x1  }
0xa8: {  	s23 =	simm.s32 $0x1B8B  }
0xa9: {  	_ =	swait.ge [sflag:s23], $0x1  }
0xaa: {  	[sflag:s23] =	ssyncset.done $0x0  }
0xab: {  	s25 =	simm.s32 $0x1B8E;
	s24 =	sld [smem:$0x3FFE];
	[sflag:s23] =	ssyncadd.s32 $0xFFFFFFFF  }
0xac: {  	s26 =	simm.s32 $execute0_lowered;
	[smem:$0x3FD2] =	sst s25  }
0xad: {  	s7 =	sshll.u32 s26, $0x1;
	_ =	strace $0x80000046;
	[dreg:$0x1] =	wrdreg $0xFFFFFFFF  }
0xae: {  	s28 =	simm.s32 $_size_execute0_lowered;
	s5 =	sadd.s32 s5, s7;
	[dreg:$0x0] =	wrdreg $0x0  }
0xaf: {  	s7 =	sshll.u32 s28, $0x1;
	[dreg:$0x2] =	wrdreg s5  }
0xb0: {  	[dreg:$0x3] =	wrdreg s7  }
0xb1: {  	[dreg:$0x4] =	wrdreg $0xC0  }
0xb2: {  	_ =	task [dreg:s9], $0x5FFFF  }
0xb3: {  	[dreg:$0x1] =	wrdreg $0xFFFFFFFF  }
0xb4: {  	[dreg:$0x0] =	wrdreg $0x60  }
0xb5: {  	[dreg:$0x2] =	wrdreg s4  }
0xb6: {  	[dreg:$0x3] =	wrdreg s15  }
0xb7: {  	[dreg:$0x4] =	wrdreg s24  }
0xb8: {  	[dreg:$0x5] =	wrdreg s16  }
0xb9: {  	[dreg:$0x6] =	wrdreg $0x9  }
0xba: {  	_ =	task.clear_ibuf [dreg:s9], $0x7FFFF;
	_ =	strace $0x90000046  }
0xbb: {  	s29 =	simm.s32 $0x9;
	_ =	strace $0x80000048  }
0xbc: {  	_ =	swait.ge [sflag:s29], $0x1  }
0xbd: {  	[sflag:s29] =	ssyncadd.s32 $0xFFFFFFFF  }
0xbe: {  	_ =	strace $0x90000048  }
0xbf: {  	_ =	sfence  }
0xc0: {  	s30 =	sld [smem:$0x0];
	_ =	sdelay $0x2  }
0xc1: {  	s31 =	sshll.u32 s1, $0xD;
	s1 =	sshrl.u32 s1, $0x2  }
0xc2: {  	s3 =	sand.u32 $0x4000, s31;
	s1 =	sadd.s32 s1, s30  }
0xc3: {  	s0 =	sor.u32 s3, s0;
	s1 =	sshll.u32 s1, $0x11  }
0xc4: {  	s0 =	sor.u32 s1, s0  }
0xc5: {  	s0 =	sadd.s32 $0x8F2B, s0  }
0xc6: {  	[sflag:s0] =	ssyncadd.remote.s32 $0x1  }
0xc7: {  	_ =	sfence.sel $0xFFFF  }
0xc8: {  	[dreg:$0x0] =	wrdreg $0xFFFFFFFF;
	(pc) =	sbr.abs _section_cstart, $3  }
0xc9: {  	[dreg:$0x1] =	wrdreg $0xFFFFFFFF  }
0xca: {  	_ =	task.clear_ibuf [dreg:s9], $0x2FFFF;
	_ =	strace $0x9FFFFFFF  }
0xcb: {  	(tm) =	ssettm $0x7FFFFFFF  }
tec
execute0_lowered:
.L_overlay_start_1:
0x0: {  	(tag) =	ssettag $0x1  }
0x1: {  	s4 =	rddreg [dreg:$0x0]  }
0x2: {  	s1 =	srdreg.scid;
	s5 =	rddreg [dreg:$0x1]  }
0x3: {  	s0 =	stileid.u32;
	s8 =	rddreg [dreg:$0x2];
	s7 =	sand.u32 $0x1, s1  }
0x4: {  	s2 =	rddreg [dreg:$0x3];
	s17 =	sshll.u32 s0, $0x7;
	s3 =	sshll.u32 s7, $0x6  }
0x5: {  	s1 =	rddreg [dreg:$0x4];
	s6 =	sor.u32 s3, s17;
	s3 =	simm.s32 $0x0  }
0x6: {  	s26 =	simm.s32 $0x480;
	[smem:$0x7FF] =	sst s3  }
0x7: {  	s28 =	simm.s32 $0x2880;
	_ =	strace $0x80000047;
	[dreg:$0xd] =	wrdreg s26  }
0x8: {  	s29 =	simm.s32 $0x4C80;
	[dreg:$0xe] =	wrdreg s28  }
0x9: {  	s30 =	simm.s32 $0x7080;
	[dreg:$0xf] =	wrdreg s29  }
0xa: {  	s31 =	simm.s32 $0x9480;
	[dreg:$0x10] =	wrdreg s30  }
0xb: {  	s10 =	simm.s32 $0xDC80;
	[dreg:$0x11] =	wrdreg s31  }
0xc: {  	s11 =	simm.s32 $0x10080;
	[dreg:$0x13] =	wrdreg s10  }
0xd: {  	s12 =	simm.s32 $0x880;
	[dreg:$0x14] =	wrdreg s11  }
0xe: {  	s13 =	simm.s32 $0x1080;
	[dreg:$0x15] =	wrdreg s12  }
0xf: {  	s14 =	simm.s32 $0x1880;
	[dreg:$0x16] =	wrdreg s13  }
0x10: {  	s15 =	simm.s32 $0x2080;
	[dreg:$0x17] =	wrdreg s14  }
0x11: {  	s16 =	simm.s32 $0x2C80;
	s17 =	simm.s32 $0x3480;
	[dreg:$0x18] =	wrdreg s15  }
0x12: {  	s9 =	sshrl.u32 s6, $0x3;
	s18 =	sshll.u32 s6, $0x4;
	[dreg:$0x19] =	wrdreg s16  }
0x13: {  	s8 =	sadd.s32 s9, s8;
	s9 =	simm.s32 $0xB880;
	[dreg:$0x1a] =	wrdreg s17  }
0x14: {  	s4 =	sadd.s32 s4, s18;
	s18 =	simm.s32 $0x3C80;
	[dreg:$0x12] =	wrdreg s9  }
0x15: {  	s26 =	simm.s32 $0x7C80;
	[dreg:$0x1b] =	wrdreg s18  }
0x16: {  	s28 =	simm.s32 $0x8480;
	[smem:$0x7F0] =	sst s26  }
0x17: {  	s29 =	simm.s32 $0x8C80;
	[smem:$0x7F1] =	sst s28  }
0x18: {  	s30 =	simm.s32 $0x9880;
	[smem:$0x7F2] =	sst s29  }
0x19: {  	s11 =	simm.s32 $0xA080;
	[smem:$0x7F3] =	sst s30  }
0x1a: {  	s31 =	simm.s32 $0xA880;
	[smem:$0x7F4] =	sst s11  }
0x1b: {  	s12 =	simm.s32 $0xB080;
	[smem:$0x7F5] =	sst s31  }
0x1c: {  	s13 =	simm.s32 $0xBC80;
	[smem:$0x7F6] =	sst s12  }
0x1d: {  	s14 =	simm.s32 $0xC480;
	[smem:$0x7F7] =	sst s13  }
0x1e: {  	s15 =	simm.s32 $0xCC80;
	[smem:$0x7F8] =	sst s14  }
0x1f: {  	s16 =	simm.s32 $0xD480;
	[smem:$0x7F9] =	sst s15  }
0x20: {  	s7 =	ssub.s32 $0x2, s7;
	s17 =	simm.s32 $0xE080;
	[smem:$0x7FA] =	sst s16  }
0x21: {  	s6 =	sshll.u32 s6, $0x7;
	s8 =	sadd.s32 $0x1400, s8;
	[smem:$0x7FB] =	sst s17  }
0x22: {  	s5 =	sadd.s32 s5, s6;
	s19 =	sadd.s32 $0x80, s4;
	[dreg:$0x5] =	wrdreg s8  }
0x23: {  	s6 =	sadd.s32 $0x100, s2;
	s20 =	sadd.s32 $0x100, s4;
	[dreg:$0x6] =	wrdreg s19  }
0x24: {  	s21 =	sadd.s32 $0x180, s4;
	s22 =	sadd.s32 $0x200, s4;
	[dreg:$0x7] =	wrdreg s20  }
0x25: {  	s23 =	sadd.s32 $0x280, s4;
	s24 =	sadd.s32 $0x300, s4;
	[dreg:$0x8] =	wrdreg s21  }
0x26: {  	s25 =	sadd.s32 $0x380, s4;
	s9 =	sadd.s32 $0x400, s2;
	[dreg:$0x9] =	wrdreg s22  }
0x27: {  	s11 =	simm.s32 $0x2;
	s12 =	simm.s32 $0x80;
	[dreg:$0xa] =	wrdreg s23  }
0x28: {  	s13 =	simm.s32 $0x2480;
	s14 =	simm.s32 $0x4880;
	[dreg:$0xb] =	wrdreg s24  }
0x29: {  	s15 =	simm.s32 $0x6C80;
	s18 =	simm.s32 $0xE880;
	[dreg:$0xc] =	wrdreg s25  }
0x2a: {  	s16 =	simm.s32 $0x9080;
	s19 =	simm.s32 $0x4480;
	[smem:$0x7FC] =	sst s18  }
0x2b: {  	s17 =	simm.s32 $0xB480;
	s20 =	simm.s32 $0x5080;
	[dreg:$0x1c] =	wrdreg s19  }
0x2c: {  	s21 =	simm.s32 $0x5880;
	s22 =	simm.s32 $0x6080;
	[dreg:$0x1d] =	wrdreg s20  }
0x2d: {  	s23 =	sshrl.u32 s7, $0x1;
	s24 =	simm.s32 $0x6880;
	[dreg:$0x1e] =	wrdreg s21  }
0x2e: {  	s25 =	simm.s32 $0x7480;
	s8 =	sadd.s32 $0x300, s2;
	[dreg:$0x1f] =	wrdreg s22  }
0x2f: {  	s18 =	simm.s32 $0xD880;
	s10 =	ssub.s32 s7, s23;
	[smem:$0x7EE] =	sst s24  }
0x30: {  	[smem:$0x7EF] =	sst s25;
	s7 =	sadd.s32 $0x200, s2;
	s20 =	simm.s32 $0xF080  }
0x31: {  	v2 =	vlaneseq.u32;
	s19 =	simm.s32 $0xFC80;
	s21 =	simm.s32 $0x10480;
	s22 =	simm.s32 $0x10C80  }
0x32: {  	vm0 =	vmmov $0xffff;
	vm1 =	vmmov $0xff;
	v1 =	vshrl.u32 v2, $0x3;
	s23 =	simm.s32 $0x11480;
	s24 =	simm.s32 $0x11C80;
	s25 =	simm.s32 $0x1  }
0x33: {  	v0 =	vand.u32 $0x7, v2;
	v2 =	vor.u32 $0x8, v2;
	v1 =	vmul.u32 $0x8, v1;
	s10 =	smax.u32 s10, $0x1;
	[smem:$0x7FD] =	sst s20;
	s20 =	simm.s32 $0xF880  }
.LBB2_1:
0x34: {  	s26 =	rddreg [dreg:$0x5]  }
0x35: {  	[tilespmem:s3], [sflag:$0x2] =	stream.linear.gather [hbm4b:s26+s3], $0x40, $0x38;
	[tilespmem:$0x12080] =	vst v63  }
0x36: {  	_ =	swait.ge [sflag:s11], $0x40  }
0x37: {  	[sflag:s11] =	ssyncset.done $0x0  }
0x38: {  	[sflag:s11] =	ssyncadd.s32 $0xFFFFFFC0  }
0x39: {  	[tilespmem:s12], [sflag:$0x2] =	stream.linear.gather [hbm4b:s4+s3], $0x400, $0x38;
	[tilespmem:$0x12080] =	vst v63  }
0x3a: {  	s30 =	rddreg [dreg:$0x6]  }
0x3b: {  	[tilespmem:s13], [sflag:$0x2] =	stream.linear.gather [hbm4b:s30+s3], $0x400, $0x38;
	[tilespmem:$0x12080] =	vst v63  }
0x3c: {  	s28 =	rddreg [dreg:$0x7]  }
0x3d: {  	[tilespmem:s14], [sflag:$0x2] =	stream.linear.gather [hbm4b:s28+s3], $0x400, $0x38;
	[tilespmem:$0x12080] =	vst v63  }
0x3e: {  	s31 =	rddreg [dreg:$0x8]  }
0x3f: {  	[tilespmem:s15], [sflag:$0x2] =	stream.linear.gather [hbm4b:s31+s3], $0x400, $0x38;
	[tilespmem:$0x12080] =	vst v63  }
0x40: {  	s29 =	rddreg [dreg:$0x9]  }
0x41: {  	[tilespmem:s16], [sflag:$0x2] =	stream.linear.gather [hbm4b:s29+s3], $0x400, $0x38;
	[tilespmem:$0x12080] =	vst v63  }
0x42: {  	s30 =	rddreg [dreg:$0xa]  }
0x43: {  	[tilespmem:s17], [sflag:$0x2] =	stream.linear.gather [hbm4b:s30+s3], $0x400, $0x38;
	[tilespmem:$0x12080] =	vst v63  }
0x44: {  	s31 =	rddreg [dreg:$0xb]  }
0x45: {  	[tilespmem:s18], [sflag:$0x2] =	stream.linear.gather [hbm4b:s31+s3], $0x400, $0x38;
	[tilespmem:$0x12080] =	vst v63  }
0x46: {  	s29 =	rddreg [dreg:$0xc]  }
0x47: {  	[tilespmem:s19], [sflag:$0x2] =	stream.linear.gather [hbm4b:s29+s3], $0x400, $0x38;
	[tilespmem:$0x12080] =	vst v63  }
0x48: {  	_ =	swait.ge [sflag:s11], $0x2000  }
0x49: {  	[sflag:s11] =	ssyncset.done $0x0  }
0x4a: {  	s30 =	rddreg [dreg:$0xd];
	[sflag:s11] =	ssyncadd.s32 $0xFFFFE000  }
0x4b: {  	[tilespmem:s30], [sflag:$0x2] =	stream.linear.gather [hbm4b:s5+s3], $0x2000, $0x38;
	[tilespmem:$0x12080] =	vst v63  }
0x4c: {  	s31 =	rddreg [dreg:$0xe];
	s30 =	sadd.s32 $0x400, s5  }
0x4d: {  	[tilespmem:s31], [sflag:$0x2] =	stream.linear.gather [hbm4b:s30+s3], $0x2000, $0x38;
	[tilespmem:$0x12080] =	vst v63  }
0x4e: {  	s29 =	rddreg [dreg:$0xf];
	s31 =	sadd.s32 $0x800, s5  }
0x4f: {  	[tilespmem:s29], [sflag:$0x2] =	stream.linear.gather [hbm4b:s31+s3], $0x2000, $0x38;
	[tilespmem:$0x12080] =	vst v63  }
0x50: {  	s30 =	rddreg [dreg:$0x10];
	s31 =	sadd.s32 $0xC00, s5  }
0x51: {  	[tilespmem:s30], [sflag:$0x2] =	stream.linear.gather [hbm4b:s31+s3], $0x2000, $0x38;
	[tilespmem:$0x12080] =	vst v63  }
0x52: {  	s29 =	rddreg [dreg:$0x11];
	s30 =	sadd.s32 $0x1000, s5  }
0x53: {  	[tilespmem:s29], [sflag:$0x2] =	stream.linear.gather [hbm4b:s30+s3], $0x2000, $0x38;
	[tilespmem:$0x12080] =	vst v63  }
0x54: {  	s31 =	rddreg [dreg:$0x12];
	s30 =	sadd.s32 $0x1400, s5  }
0x55: {  	[tilespmem:s31], [sflag:$0x2] =	stream.linear.gather [hbm4b:s30+s3], $0x2000, $0x38;
	[tilespmem:$0x12080] =	vst v63  }
0x56: {  	s29 =	rddreg [dreg:$0x13];
	s31 =	sadd.s32 $0x1800, s5  }
0x57: {  	[tilespmem:s29], [sflag:$0x2] =	stream.linear.gather [hbm4b:s31+s3], $0x2000, $0x38;
	[tilespmem:$0x12080] =	vst v63  }
0x58: {  	s30 =	rddreg [dreg:$0x14];
	s31 =	sadd.s32 $0x1C00, s5  }
0x59: {  	[tilespmem:s30], [sflag:$0x2] =	stream.linear.gather [hbm4b:s31+s3], $0x2000, $0x38;
	[tilespmem:$0x12080] =	vst v63  }
0x5a: {  	_ =	swait.ge [sflag:s11], $0x10000  }
0x5b: {  	[sflag:s11] =	ssyncset.done $0x0  }
0x5c: {  	[sflag:s11] =	ssyncadd.s32 $0xFFFF0000  }
0x5d: {  	v3 =	vld [tilespmem:$0x0];
	_ =	sdelay $0x4  }
0x5e: {  	v4 =	vshrl.u32 v3, $0x3  }
0x5f: {  	v4 =	vmul.u32 $0x48, v4  }
0x60: {  	v3 =	vand.u32 $0x7, v3  }
0x61: {  	v3 =	vor.u32 v3, v4  }
0x62: {  	v4 =	vperm.xlane v3, v0;
	_ =	sdelay $0x1  }
0x63: {  	v4 =	vadd.s32 v1, v4;
	_ =	sdelay $0x4  }
0x64: {  	[hbm4b:s2+s3] =	stream.indirect_vreg.scatter [tilespmem:s12], [sflag:$0x1], $0x80, v4, vm0, $0xb8;
	[tilespmem:$0x12080] =	vst v63  }
0x65: {  	s29 =	rddreg [dreg:$0x15]  }
0x66: {  	[hbm4b:s6+s3] =	stream.indirect_vreg.scatter [tilespmem:s29], [sflag:$0x1], $0x80, v4, vm0, $0xb8;
	[tilespmem:$0x12080] =	vst v63  }
0x67: {  	s30 =	rddreg [dreg:$0x16];
	v3 =	vperm.xlane v3, v2  }
0x68: {  	[hbm4b:s7+s3] =	stream.indirect_vreg.scatter [tilespmem:s30], [sflag:$0x1], $0x80, v4, vm0, $0xb8;
	[tilespmem:$0x12080] =	vst v63  }
0x69: {  	s31 =	rddreg [dreg:$0x17];
	v3 =	vadd.s32 v1, v3  }
0x6a: {  	[hbm4b:s8+s3] =	stream.indirect_vreg.scatter [tilespmem:s31], [sflag:$0x1], $0x80, v4, vm0, $0xb8;
	[tilespmem:$0x12080] =	vst v63  }
0x6b: {  	s29 =	rddreg [dreg:$0x18]  }
0x6c: {  	[hbm4b:s9+s3] =	stream.indirect_vreg.scatter [tilespmem:s29], [sflag:$0x1], $0x80, v4, vm1, $0xb8;
	[tilespmem:$0x12080] =	vst v63  }
0x6d: {  	_ = 	snop  }
0x6e: {  	[hbm4b:s2+s3] =	stream.indirect_vreg.scatter [tilespmem:s13], [sflag:$0x1], $0x80, v3, vm0, $0xb8;
	[tilespmem:$0x12080] =	vst v63  }
0x6f: {  	s30 =	rddreg [dreg:$0x19]  }
0x70: {  	[hbm4b:s6+s3] =	stream.indirect_vreg.scatter [tilespmem:s30], [sflag:$0x1], $0x80, v3, vm0, $0xb8;
	[tilespmem:$0x12080] =	vst v63  }
0x71: {  	s31 =	rddreg [dreg:$0x1a]  }
0x72: {  	[hbm4b:s7+s3] =	stream.indirect_vreg.scatter [tilespmem:s31], [sflag:$0x1], $0x80, v3, vm0, $0xb8;
	[tilespmem:$0x12080] =	vst v63  }
0x73: {  	s29 =	rddreg [dreg:$0x1b]  }
0x74: {  	[hbm4b:s8+s3] =	stream.indirect_vreg.scatter [tilespmem:s29], [sflag:$0x1], $0x80, v3, vm0, $0xb8;
	[tilespmem:$0x12080] =	vst v63  }
0x75: {  	s30 =	rddreg [dreg:$0x1c]  }
0x76: {  	[hbm4b:s9+s3] =	stream.indirect_vreg.scatter [tilespmem:s30], [sflag:$0x1], $0x80, v3, vm1, $0xb8;
	[tilespmem:$0x12080] =	vst v63  }
0x77: {  	v3 =	vld [tilespmem:$0x10];
	_ =	sdelay $0x4  }
0x78: {  	v61 =	vshrl.u32 v3, $0x3  }
0x79: {  	v4 =	vmul.u32 $0x48, v61  }
0x7a: {  	v3 =	vand.u32 $0x7, v3  }
0x7b: {  	v3 =	vor.u32 v3, v4  }
0x7c: {  	v4 =	vperm.xlane v3, v0;
	_ =	sdelay $0x1  }
0x7d: {  	v4 =	vadd.s32 v1, v4;
	_ =	sdelay $0x3  }
0x7e: {  	s31 =	rddreg [dreg:$0x1d]  }
0x7f: {  	[hbm4b:s2+s3] =	stream.indirect_vreg.scatter [tilespmem:s14], [sflag:$0x1], $0x80, v4, vm0, $0xb8;
	[tilespmem:$0x12080] =	vst v63  }
0x80: {  	s29 =	rddreg [dreg:$0x1e]  }
0x81: {  	[hbm4b:s6+s3] =	stream.indirect_vreg.scatter [tilespmem:s31], [sflag:$0x1], $0x80, v4, vm0, $0xb8;
	[tilespmem:$0x12080] =	vst v63  }
0x82: {  	s30 =	rddreg [dreg:$0x1f];
	v3 =	vperm.xlane v3, v2  }
0x83: {  	[hbm4b:s7+s3] =	stream.indirect_vreg.scatter [tilespmem:s29], [sflag:$0x1], $0x80, v4, vm0, $0xb8;
	[tilespmem:$0x12080] =	vst v63  }
0x84: {  	v3 =	vadd.s32 v1, v3;
	s31 =	sld [smem:$0x7EE]  }
0x85: {  	[hbm4b:s8+s3] =	stream.indirect_vreg.scatter [tilespmem:s30], [sflag:$0x1], $0x80, v4, vm0, $0xb8;
	[tilespmem:$0x12080] =	vst v63  }
0x86: {  	_ = 	snop  }
0x87: {  	[hbm4b:s9+s3] =	stream.indirect_vreg.scatter [tilespmem:s31], [sflag:$0x1], $0x80, v4, vm1, $0xb8;
	[tilespmem:$0x12080] =	vst v63  }
0x88: {  	s29 =	sld [smem:$0x7EF]  }
0x89: {  	[hbm4b:s2+s3] =	stream.indirect_vreg.scatter [tilespmem:s15], [sflag:$0x1], $0x80, v3, vm0, $0xb8;
	[tilespmem:$0x12080] =	vst v63  }
0x8a: {  	s30 =	sld [smem:$0x7F0]  }
0x8b: {  	[hbm4b:s6+s3] =	stream.indirect_vreg.scatter [tilespmem:s29], [sflag:$0x1], $0x80, v3, vm0, $0xb8;
	[tilespmem:$0x12080] =	vst v63  }
0x8c: {  	s31 =	sld [smem:$0x7F1]  }
0x8d: {  	[hbm4b:s7+s3] =	stream.indirect_vreg.scatter [tilespmem:s30], [sflag:$0x1], $0x80, v3, vm0, $0xb8;
	[tilespmem:$0x12080] =	vst v63  }
0x8e: {  	s29 =	sld [smem:$0x7F2]  }
0x8f: {  	[hbm4b:s8+s3] =	stream.indirect_vreg.scatter [tilespmem:s31], [sflag:$0x1], $0x80, v3, vm0, $0xb8;
	[tilespmem:$0x12080] =	vst v63  }
0x90: {  	_ = 	snop  }
0x91: {  	[hbm4b:s9+s3] =	stream.indirect_vreg.scatter [tilespmem:s29], [sflag:$0x1], $0x80, v3, vm1, $0xb8;
	[tilespmem:$0x12080] =	vst v63  }
0x92: {  	v3 =	vld [tilespmem:$0x20];
	_ =	sdelay $0x4  }
0x93: {  	v62 =	vshrl.u32 v3, $0x3  }
0x94: {  	v4 =	vmul.u32 $0x48, v62  }
0x95: {  	v3 =	vand.u32 $0x7, v3  }
0x96: {  	v3 =	vor.u32 v3, v4  }
0x97: {  	v4 =	vperm.xlane v3, v0;
	_ =	sdelay $0x1  }
0x98: {  	v4 =	vadd.s32 v1, v4;
	_ =	sdelay $0x3  }
0x99: {  	s30 =	sld [smem:$0x7F3]  }
0x9a: {  	[hbm4b:s2+s3] =	stream.indirect_vreg.scatter [tilespmem:s16], [sflag:$0x1], $0x80, v4, vm0, $0xb8;
	[tilespmem:$0x12080] =	vst v63  }
0x9b: {  	s31 =	sld [smem:$0x7F4]  }
0x9c: {  	[hbm4b:s6+s3] =	stream.indirect_vreg.scatter [tilespmem:s30], [sflag:$0x1], $0x80, v4, vm0, $0xb8;
	[tilespmem:$0x12080] =	vst v63  }
0x9d: {  	s29 =	sld [smem:$0x7F5];
	v3 =	vperm.xlane v3, v2  }
0x9e: {  	[hbm4b:s7+s3] =	stream.indirect_vreg.scatter [tilespmem:s31], [sflag:$0x1], $0x80, v4, vm0, $0xb8;
	[tilespmem:$0x12080] =	vst v63  }
0x9f: {  	v3 =	vadd.s32 v1, v3;
	s30 =	sld [smem:$0x7F6]  }
0xa0: {  	[hbm4b:s8+s3] =	stream.indirect_vreg.scatter [tilespmem:s29], [sflag:$0x1], $0x80, v4, vm0, $0xb8;
	[tilespmem:$0x12080] =	vst v63  }
0xa1: {  	_ = 	snop  }
0xa2: {  	[hbm4b:s9+s3] =	stream.indirect_vreg.scatter [tilespmem:s30], [sflag:$0x1], $0x80, v4, vm1, $0xb8;
	[tilespmem:$0x12080] =	vst v63  }
0xa3: {  	s31 =	sld [smem:$0x7F7]  }
0xa4: {  	[hbm4b:s2+s3] =	stream.indirect_vreg.scatter [tilespmem:s17], [sflag:$0x1], $0x80, v3, vm0, $0xb8;
	[tilespmem:$0x12080] =	vst v63  }
0xa5: {  	s29 =	sld [smem:$0x7F8]  }
0xa6: {  	[hbm4b:s6+s3] =	stream.indirect_vreg.scatter [tilespmem:s31], [sflag:$0x1], $0x80, v3, vm0, $0xb8;
	[tilespmem:$0x12080] =	vst v63  }
0xa7: {  	s30 =	sld [smem:$0x7F9]  }
0xa8: {  	[hbm4b:s7+s3] =	stream.indirect_vreg.scatter [tilespmem:s29], [sflag:$0x1], $0x80, v3, vm0, $0xb8;
	[tilespmem:$0x12080] =	vst v63  }
0xa9: {  	s31 =	sld [smem:$0x7FA]  }
0xaa: {  	[hbm4b:s8+s3] =	stream.indirect_vreg.scatter [tilespmem:s30], [sflag:$0x1], $0x80, v3, vm0, $0xb8;
	[tilespmem:$0x12080] =	vst v63  }
0xab: {  	_ = 	snop  }
0xac: {  	[hbm4b:s9+s3] =	stream.indirect_vreg.scatter [tilespmem:s31], [sflag:$0x1], $0x80, v3, vm1, $0xb8;
	[tilespmem:$0x12080] =	vst v63  }
0xad: {  	v3 =	vld [tilespmem:$0x30];
	_ =	sdelay $0x4  }
0xae: {  	v63 =	vshrl.u32 v3, $0x3  }
0xaf: {  	v4 =	vmul.u32 $0x48, v63  }
0xb0: {  	v3 =	vand.u32 $0x7, v3  }
0xb1: {  	v3 =	vor.u32 v3, v4  }
0xb2: {  	v4 =	vperm.xlane v3, v0;
	_ =	sdelay $0x1  }
0xb3: {  	v4 =	vadd.s32 v1, v4;
	_ =	sdelay $0x3  }
0xb4: {  	s29 =	sld [smem:$0x7FB]  }
0xb5: {  	[hbm4b:s2+s3] =	stream.indirect_vreg.scatter [tilespmem:s18], [sflag:$0x1], $0x80, v4, vm0, $0xb8;
	[tilespmem:$0x12080] =	vst v63  }
0xb6: {  	s30 =	sld [smem:$0x7FC]  }
0xb7: {  	[hbm4b:s6+s3] =	stream.indirect_vreg.scatter [tilespmem:s29], [sflag:$0x1], $0x80, v4, vm0, $0xb8;
	[tilespmem:$0x12080] =	vst v63  }
0xb8: {  	s31 =	sld [smem:$0x7FD];
	v3 =	vperm.xlane v3, v2  }
0xb9: {  	[hbm4b:s7+s3] =	stream.indirect_vreg.scatter [tilespmem:s30], [sflag:$0x1], $0x80, v4, vm0, $0xb8;
	[tilespmem:$0x12080] =	vst v63  }
0xba: {  	v3 =	vadd.s32 v1, v3  }
0xbb: {  	[hbm4b:s8+s3] =	stream.indirect_vreg.scatter [tilespmem:s31], [sflag:$0x1], $0x80, v4, vm0, $0xb8;
	[tilespmem:$0x12080] =	vst v63  }
0xbc: {  	_ = 	snop  }
0xbd: {  	[hbm4b:s9+s3] =	stream.indirect_vreg.scatter [tilespmem:s20], [sflag:$0x1], $0x80, v4, vm1, $0xb8;
	[tilespmem:$0x12080] =	vst v63  }
0xbe: {  	_ = 	snop  }
0xbf: {  	[hbm4b:s2+s3] =	stream.indirect_vreg.scatter [tilespmem:s19], [sflag:$0x1], $0x80, v3, vm0, $0xb8;
	[tilespmem:$0x12080] =	vst v63  }
0xc0: {  	_ = 	snop  }
0xc1: {  	[hbm4b:s6+s3] =	stream.indirect_vreg.scatter [tilespmem:s21], [sflag:$0x1], $0x80, v3, vm0, $0xb8;
	[tilespmem:$0x12080] =	vst v63  }
0xc2: {  	_ = 	snop  }
0xc3: {  	[hbm4b:s7+s3] =	stream.indirect_vreg.scatter [tilespmem:s22], [sflag:$0x1], $0x80, v3, vm0, $0xb8;
	[tilespmem:$0x12080] =	vst v63  }
0xc4: {  	p0 =	sne.s32 s10, $0x1  }
0xc5: {  	[hbm4b:s8+s3] =	stream.indirect_vreg.scatter [tilespmem:s23], [sflag:$0x1], $0x80, v3, vm0, $0xb8;
	[tilespmem:$0x12080] =	vst v63  }
.Ltmp0:
0xc6: {  	_ = 	snop;
	(pc) =	sbr.rel @p0 .LBB2_1-.Ltmp0, $4  }
0xc7: {  	[hbm4b:s9+s3] =	stream.indirect_vreg.scatter [tilespmem:s24], [sflag:$0x1], $0x80, v3, vm1, $0xb8;
	[tilespmem:$0x12080] =	vst v63  }
0xc8: {  	_ =	swait.ge [sflag:s25], $0x12000  }
0xc9: {  	[sflag:s25] =	ssyncset.done $0x0  }
0xca: {  	s10 =	sadd.s32 $0xFFFFFFFF, s10;
	[sflag:s25] =	ssyncadd.s32 $0xFFFEE000  }
0xcb: {  	_ =	sfence.sel $0x180000  }
0xcc: {  	[bflag:$0x0] =	sbarrier.arrive $0xFFFF  }
0xcd: {  	p0 =	sne.s32 s0, $0x0;
	_ =	strace $0x90000047  }
0xce: {  	s0 =	sadd.s32 @!p0 $0x100000, s1;
	[bflag:$0x2] =	sbarrier.arrive $0xFFFF  }
0xcf: {  	[sflag:s0] =	ssyncadd.tile.s32 @!p0 $0x1;
	_ =	shalt  }
.Lfunc_end2:
_tile_overlayer_lowered:
.L_overlay_start_2:
0xd0: {  	(tag) =	ssettag $0x2  }
0xd1: {  	s0 =	rddreg [dreg:$0x0];
	s2 =	stileid.u32  }
0xd2: {  	s1 =	rddreg [dreg:$0x1];
	p0 =	sne.s32 s2, $0x0  }
0xd3: {  	s3 =	rddreg [dreg:$0x2];
	[bflag:$0x3] =	sbarrier.arrive $0xFFFF;
	s2 =	simm.s32 @!p0 $0x1C02  }
0xd4: {  	[timem:s3], [sflag:s2] =	dma.local @!p0 [hbm:s0], s1  }
0xd5: {  	s0 =	simm.s32 @!p0 $0x2  }
0xd6: {  	_ =	swait.ge @!p0 [sflag:s0], s1  }
0xd7: {  	s1 =	ssub.s32 @!p0 $0x0, s1;
	[sflag:s0] =	ssyncset.done @!p0 $0x0  }
0xd8: {  	[sflag:s0] =	ssyncadd.s32 @!p0 s1  }
0xd9: {  	[bflag:$0x3] =	sbarrier.arrive $0xFFFF  }
0xda: {  	_ =	shalt  }

// kernel: kernel.9.cloned.1.call-start
scs
__scs_entry_jumppad:
0x0: {  	(pc) =	sbr.rel $0x88, $3  }
0x1: {  	(tag) =	ssettag $0x0;
	lr =	simm.s32 $0x1  }
0x2: {  	[smem:$0x3F98] =	sst lr;
	_ =	strace $0xD0000000  }
0x3: {  	_ = 	snop  }
0x4: {  	_ = 	snop  }
0x5: {  	_ = 	snop  }
0x6: {  	_ = 	snop  }
0x7: {  	_ = 	snop  }
__scs_overlays_trampoline_lowered:
0x8: {  	[smem:$0x3FA7] =	sst s0  }
0x9: {  	[smem:$0x3FA8] =	sst s1  }
0xa: {  	[smem:$0x3FA9] =	sst s2  }
0xb: {  	[smem:$0x3FAA] =	sst s3  }
0xc: {  	[smem:$0x3FAB] =	sst s4  }
0xd: {  	[smem:$0x3FAC] =	sst s5  }
0xe: {  	[smem:$0x3FAD] =	sst s6  }
0xf: {  	[smem:$0x3FAE] =	sst s7  }
0x10: {  	[smem:$0x3FAF] =	sst s8  }
0x11: {  	[smem:$0x3FB0] =	sst s9;
	s0 =	simm.s32 @!p0 $0x0  }
0x12: {  	s1 =	sld [smem:$0x3F96];
	s0 =	simm.s32 @p0 $0x1  }
0x13: {  	[smem:$0x3FB1] =	sst s0;
	s0 =	simm.s32 @!p1 $0x0  }
0x14: {  	s2 =	sld [smem:$0x3F95];
	s0 =	simm.s32 @p1 $0x1  }
0x15: {  	[smem:$0x3FB2] =	sst s0;
	s0 =	simm.s32 @!p2 $0x0  }
0x16: {  	s3 =	sld [smem:$0x3FDB];
	s0 =	simm.s32 @p2 $0x1  }
0x17: {  	s4 =	simm.s32 $0x1BF5;
	[smem:$0x3FB4] =	sst s0  }
0x18: {  	s0 =	sld [smem:$0x3F97];
	_ =	swait.ge [sflag:s4], $0x0  }
0x19: {  	s7 =	sld [smem:$0x3F98]  }
0x1a: {  	s8 =	sadd.s32 $0xFFFFE003, lr  }
0x1b: {  	s9 =	sadd.s32 $0xFFFFFEF7, lr;
	s5 =	simm.s32 $0xFFFFFFFF;
	p2 =	slt.u32 s8, $0xFFFFF086  }
0x1c: {  	p1 =	slt.u32 s9, $0xF7A;
	s5 =	simm.s32 @!p2 $0x0  }
0x1d: {  	s5 =	simm.s32 @p1 $0x1;
	p0 =	seq.s32 s7, s2  }
0x1e: {  	s7 =	smul.u32 @!p0 $0xF7A, s2;
	p2 =	seq.s32 @!p0 s5, $0x0  }
0x1f: {  	s9 =	smul.u32 $0xF7A, s1;
	s8 =	simm.s32 @!p0 $0x1BF5;
	p2 =	por !p2, p0  }
0x20: {  	[sflag:s8] =	ssyncset.s32 @!p0 $0xFFFFF086;
	s6 =	sadd.s32 @!p0 s3, s7;
	s7 =	simm.s32 @!p0 $0x108  }
0x21: {  	s3 =	sadd.s32 s3, s9;
	s6 =	sadd.s32 @!p0 $0x88, s6;
	s7 =	simm.s32 @p2 $0x1082  }
0x22: {  	[simem:s7], [sflag:s8] =	dma.local @!p0 [hbm:s6], $0xF7A  }
0x23: {  	s9 =	sor.u32 $0xD0000000, s2;
	s6 =	simm.s32 $0x108;
	_ =	swait.ge @!p0 [sflag:s8], $0x0  }
0x24: {  	s3 =	sadd.s32 $0x88, s3;
	s6 =	simm.s32 @!p1 $0x1082;
	[sflag:s4] =	ssyncset.s32 $0xFFFFF086  }
0x25: {  	[simem:s6], [sflag:s4] =	dma.local [hbm:s3], $0xF7A  }
0x26: {  	[smem:$0x3F98] =	sst s1;
	(tag) =	ssettag s2;
	_ =	strace s9  }
0x27: {  	s1 =	sld [smem:$0x3FA8]  }
0x28: {  	s2 =	sld [smem:$0x3FA9]  }
0x29: {  	s4 =	sld [smem:$0x3FAB]  }
0x2a: {  	p0 =	seq.s32 s5, $0x0;
	s5 =	sld [smem:$0x3FAC]  }
0x2b: {  	s6 =	sld [smem:$0x3FAD]  }
0x2c: {  	s7 =	sld [smem:$0x3FAE]  }
0x2d: {  	s3 =	simm.s32 $0x108;
	s8 =	sld [smem:$0x3FAF]  }
0x2e: {  	s3 =	simm.s32 @!p0 $0x1082;
	s9 =	sld [smem:$0x3FB0]  }
0x2f: {  	lr =	sadd.s32 s0, s3;
	s0 =	sld [smem:$0x3FA7]  }
0x30: {  	s3 =	sld [smem:$0x3FAA]  }
0x31: {  	[smem:$0x3FB3] =	sst s10  }
0x32: {  	s10 =	sld [smem:$0x3FB1];
	_ =	sdelay $0x3  }
0x33: {  	p0 =	seq.s32 s10, $0x1;
	s10 =	sld [smem:$0x3FB3];
	_ =	sdelay $0x3  }
0x34: {  	[smem:$0x3FB3] =	sst s10  }
0x35: {  	s10 =	sld [smem:$0x3FB2];
	_ =	sdelay $0x3  }
0x36: {  	p1 =	seq.s32 s10, $0x1;
	s10 =	sld [smem:$0x3FB3];
	_ =	sdelay $0x3  }
0x37: {  	[smem:$0x3FB3] =	sst s10  }
0x38: {  	s10 =	sld [smem:$0x3FB4]  }
0x39: {  	_ = 	snop;
	(pc) =	sbr.ind lr, $3  }
0x3a: {  	_ = 	snop  }
0x3b: {  	_ = 	snop  }
0x3c: {  	p2 =	seq.s32 s10, $0x1;
	s10 =	sld [smem:$0x3FB3]  }
0x3d: {  	_ =	shalt  }
0x3e: {  	_ =	shalt  }
0x3f: {  	_ =	shalt  }
0x40: {  	_ =	shalt  }
0x41: {  	_ =	shalt  }
0x42: {  	_ =	shalt  }
0x43: {  	_ =	shalt  }
0x44: {  	_ =	shalt  }
0x45: {  	_ =	shalt  }
0x46: {  	_ =	shalt  }
0x47: {  	_ =	shalt  }
0x48: {  	_ =	shalt  }
0x49: {  	_ =	shalt  }
0x4a: {  	_ =	shalt  }
0x4b: {  	_ =	shalt  }
0x4c: {  	_ =	shalt  }
0x4d: {  	_ =	shalt  }
0x4e: {  	_ =	shalt  }
0x4f: {  	_ =	shalt  }
0x50: {  	_ =	shalt  }
0x51: {  	_ =	shalt  }
0x52: {  	_ =	shalt  }
0x53: {  	_ =	shalt  }
0x54: {  	_ =	shalt  }
0x55: {  	_ =	shalt  }
0x56: {  	_ =	shalt  }
0x57: {  	_ =	shalt  }
0x58: {  	_ =	shalt  }
0x59: {  	_ =	shalt  }
0x5a: {  	_ =	shalt  }
0x5b: {  	_ =	shalt  }
0x5c: {  	_ =	shalt  }
0x5d: {  	_ =	shalt  }
0x5e: {  	_ =	shalt  }
0x5f: {  	_ =	shalt  }
0x60: {  	_ =	shalt  }
0x61: {  	_ =	shalt  }
0x62: {  	_ =	shalt  }
0x63: {  	_ =	shalt  }
0x64: {  	_ =	shalt  }
0x65: {  	_ =	shalt  }
0x66: {  	_ =	shalt  }
0x67: {  	_ =	shalt  }
0x68: {  	_ =	shalt  }
0x69: {  	_ =	shalt  }
0x6a: {  	_ =	shalt  }
0x6b: {  	_ =	shalt  }
0x6c: {  	_ =	shalt  }
0x6d: {  	_ =	shalt  }
0x6e: {  	_ =	shalt  }
0x6f: {  	_ =	shalt  }
0x70: {  	_ =	shalt  }
0x71: {  	_ =	shalt  }
0x72: {  	_ =	shalt  }
0x73: {  	_ =	shalt  }
0x74: {  	_ =	shalt  }
0x75: {  	_ =	shalt  }
0x76: {  	_ =	shalt  }
0x77: {  	_ =	shalt  }
0x78: {  	_ =	shalt  }
0x79: {  	_ =	shalt  }
0x7a: {  	_ =	shalt  }
0x7b: {  	_ =	shalt  }
0x7c: {  	_ =	shalt  }
0x7d: {  	_ =	shalt  }
0x7e: {  	_ =	shalt  }
0x7f: {  	_ =	shalt  }
0x80: {  	_ =	shalt  }
0x81: {  	_ =	shalt  }
0x82: {  	_ =	shalt  }
0x83: {  	_ =	shalt  }
0x84: {  	_ =	shalt  }
0x85: {  	_ =	shalt  }
0x86: {  	_ =	shalt  }
0x87: {  	_ =	shalt  }
.Lfunc_end0:
.L_simem_size_0:
called_computation.1_lowered:
.L_overlay_start_0:
0x88: {  	s2 =	sld [smem:$0x3FD9]  }
0x89: {  	s3 =	sld [smem:$0x3FFE];
	_ =	sdelay $0x1  }
0x8a: {  	s1 =	srdreg.scid  }
0x8b: {  	s0 =	sand.u32 $0x1, s1  }
0x8c: {  	s16 =	sshll.u32 s0, $0xA;
	s2 =	sadd.s32 s3, s2  }
0x8d: {  	s2 =	sadd.s32 s2, s16  }
0x8e: {  	[smem:$0x3FBF] =	sst s2  }
0x8f: {  	_ = 	snop  }
0x90: {  	(tm) =	ssettm $0x1  }
0x91: {  	s17 =	sld [smem:$0x3FFB];
	_ =	sdelay $0x3  }
0x92: {  	_ =	strace s17  }
0x93: {  	s2 =	sld [smem:$0x3FFC];
	_ =	sdelay $0x3  }
0x94: {  	_ =	strace s2  }
0x95: {  	s2 =	sld [smem:$0x3FFD];
	_ =	sdelay $0x3  }
0x96: {  	_ =	strace s2  }
0x97: {  	_ =	strace $0x8FFFFFFF  }
0x98: {  	s18 =	sld [smem:$0x3FDB];
	_ =	sdelay $0x1  }
0x99: {  	s19 =	simm.s32 $_scs_section_size  }
0x9a: {  	s4 =	simm.s32 $_size__tile_overlayer_lowered;
	s5 =	simm.s32 $_tile_overlayer_lowered  }
0x9b: {  	s22 =	simm.s32 $0x1BFF;
	s21 =	sshll.u32 s5, $0x1;
	s2 =	sadd.s32 s19, s18  }
0x9c: {  	s6 =	simm.s32 $0x0;
	s20 =	sshll.u32 s4, $0x1;
	s4 =	sadd.s32 s21, s2  }
0x9d: {  	[timem:s6], [sflag:s22] =	dma.local [hbm:s4], s20  }
0x9e: {  	_ =	swait.ge [sflag:s22], s20  }
0x9f: {  	s3 =	ssub.s32 $0x0, s20;
	[sflag:s22] =	ssyncset.done $0x0  }
0xa0: {  	[sflag:s22] =	ssyncadd.s32 s3;
	_ =	sdelay $0x1  }
0xa1: {  	s23 =	simm.s32 $0x1B8B  }
0xa2: {  	_ =	swait.ge [sflag:s23], $0x1  }
0xa3: {  	[sflag:s23] =	ssyncset.done $0x0  }
0xa4: {  	s25 =	simm.s32 $0x1B8E;
	s24 =	sld [smem:$0x3FFE];
	[sflag:s23] =	ssyncadd.s32 $0xFFFFFFFF  }
0xa5: {  	s26 =	simm.s32 $execute0_lowered;
	[smem:$0x3FD2] =	sst s25  }
0xa6: {  	s4 =	sshll.u32 s26, $0x1;
	_ =	strace $0x80000049;
	[dreg:$0x1] =	wrdreg $0xFFFFFFFF  }
0xa7: {  	s28 =	simm.s32 $_size_execute0_lowered;
	s2 =	sadd.s32 s2, s4;
	[dreg:$0x0] =	wrdreg $0x0  }
0xa8: {  	s4 =	sshll.u32 s28, $0x1;
	[dreg:$0x2] =	wrdreg s2  }
0xa9: {  	[dreg:$0x3] =	wrdreg s4  }
0xaa: {  	[dreg:$0x4] =	wrdreg $0xC0  }
0xab: {  	_ =	task [dreg:s6], $0x5FFFF  }
0xac: {  	[dreg:$0x1] =	wrdreg $0xFFFFFFFF  }
0xad: {  	[dreg:$0x0] =	wrdreg $0x60  }
0xae: {  	[dreg:$0x2] =	wrdreg s24  }
0xaf: {  	[dreg:$0x3] =	wrdreg $0x9  }
0xb0: {  	_ =	task.clear_ibuf [dreg:s6], $0x4FFFF;
	_ =	strace $0x90000049  }
0xb1: {  	s29 =	simm.s32 $0x9;
	_ =	strace $0x8000004B  }
0xb2: {  	_ =	swait.ge [sflag:s29], $0x1  }
0xb3: {  	[sflag:s29] =	ssyncadd.s32 $0xFFFFFFFF  }
0xb4: {  	_ =	strace $0x9000004B  }
0xb5: {  	_ =	sfence  }
0xb6: {  	s30 =	sld [smem:$0x0];
	_ =	sdelay $0x2  }
0xb7: {  	s31 =	sshll.u32 s1, $0xD;
	s1 =	sshrl.u32 s1, $0x2  }
0xb8: {  	s3 =	sand.u32 $0x4000, s31;
	s1 =	sadd.s32 s1, s30  }
0xb9: {  	s0 =	sor.u32 s3, s0;
	s1 =	sshll.u32 s1, $0x11  }
0xba: {  	s0 =	sor.u32 s1, s0  }
0xbb: {  	s0 =	sadd.s32 $0x8F2B, s0  }
0xbc: {  	[sflag:s0] =	ssyncadd.remote.s32 $0x1  }
0xbd: {  	_ =	sfence.sel $0xFFFF  }
0xbe: {  	[dreg:$0x0] =	wrdreg $0xFFFFFFFF;
	(pc) =	sbr.abs _section_cstart, $3  }
0xbf: {  	[dreg:$0x1] =	wrdreg $0xFFFFFFFF  }
0xc0: {  	_ =	task.clear_ibuf [dreg:s6], $0x2FFFF;
	_ =	strace $0x9FFFFFFF  }
0xc1: {  	(tm) =	ssettm $0x7FFFFFFF  }
tec
execute0_lowered:
.L_overlay_start_1:
0x0: {  	(tag) =	ssettag $0x1  }
0x1: {  	s1 =	srdreg.scid  }
0x2: {  	s0 =	stileid.u32;
	s4 =	sand.u32 $0x1, s1  }
0x3: {  	s2 =	sshll.u32 s0, $0x4;
	s3 =	sshll.u32 s4, $0x3  }
0x4: {  	s1 =	rddreg [dreg:$0x0];
	s3 =	sor.u32 s3, s2;
	s2 =	simm.s32 $0x0  }
0x5: {  	s17 =	simm.s32 $0x880;
	[smem:$0x7FF] =	sst s2  }
0x6: {  	s18 =	simm.s32 $0x1080;
	_ =	strace $0x8000004A;
	[dreg:$0x4] =	wrdreg s17  }
0x7: {  	s19 =	simm.s32 $0x1880;
	[dreg:$0x5] =	wrdreg s18  }
0x8: {  	s20 =	simm.s32 $0x2080;
	[dreg:$0x6] =	wrdreg s19  }
0x9: {  	s21 =	simm.s32 $0x2880;
	[dreg:$0x7] =	wrdreg s20  }
0xa: {  	s22 =	simm.s32 $0x3080;
	[dreg:$0x8] =	wrdreg s21  }
0xb: {  	s23 =	simm.s32 $0x3880;
	[dreg:$0x9] =	wrdreg s22  }
0xc: {  	s24 =	simm.s32 $0x4080;
	[dreg:$0xa] =	wrdreg s23  }
0xd: {  	s25 =	simm.s32 $0x4880;
	[dreg:$0xb] =	wrdreg s24  }
0xe: {  	s26 =	simm.s32 $0x5080;
	[dreg:$0xc] =	wrdreg s25  }
0xf: {  	s0 =	simm.s32 $0x5880;
	[dreg:$0xd] =	wrdreg s26  }
0x10: {  	s6 =	simm.s32 $0x6880;
	[dreg:$0xe] =	wrdreg s0  }
0x11: {  	s7 =	simm.s32 $0x7080;
	[dreg:$0x10] =	wrdreg s6  }
0x12: {  	s8 =	simm.s32 $0x7880;
	[dreg:$0x11] =	wrdreg s7  }
0x13: {  	s9 =	simm.s32 $0x8080;
	[dreg:$0x12] =	wrdreg s8  }
0x14: {  	s10 =	simm.s32 $0x8880;
	[dreg:$0x13] =	wrdreg s9  }
0x15: {  	s11 =	simm.s32 $0x9080;
	s12 =	simm.s32 $0x9880;
	[dreg:$0x14] =	wrdreg s10  }
0x16: {  	s13 =	simm.s32 $0xA080;
	s14 =	simm.s32 $0xA880;
	[dreg:$0x15] =	wrdreg s11  }
0x17: {  	s15 =	simm.s32 $0xB080;
	s28 =	simm.s32 $0x1A080;
	[dreg:$0x16] =	wrdreg s12  }
0x18: {  	s29 =	simm.s32 $0x1A880;
	s30 =	simm.s32 $0x1B080;
	[dreg:$0x17] =	wrdreg s13  }
0x19: {  	s5 =	smul.u32 $0x700, s3;
	s3 =	sadd.s32 s3, s1;
	[dreg:$0x18] =	wrdreg s14  }
0x1a: {  	s31 =	simm.s32 $0x1B880;
	s3 =	sadd.s32 $0x1400, s3;
	[dreg:$0x19] =	wrdreg s15  }
0x1b: {  	s4 =	ssub.s32 $0x2, s4;
	s17 =	simm.s32 $0xC080;
	[dreg:$0x2] =	wrdreg s3  }
0x1c: {  	s18 =	simm.s32 $0xC880;
	s19 =	simm.s32 $0xD080;
	[dreg:$0x1b] =	wrdreg s17  }
0x1d: {  	s20 =	simm.s32 $0xD880;
	s6 =	sshrl.u32 s4, $0x1;
	[dreg:$0x1c] =	wrdreg s18  }
0x1e: {  	s21 =	simm.s32 $0xE080;
	s22 =	simm.s32 $0xE880;
	[dreg:$0x1d] =	wrdreg s19  }
0x1f: {  	s23 =	simm.s32 $0xF080;
	s7 =	simm.s32 $0xF880;
	[dreg:$0x1e] =	wrdreg s20  }
0x20: {  	s8 =	simm.s32 $0x10080;
	s9 =	simm.s32 $0x10880;
	[dreg:$0x1f] =	wrdreg s21  }
0x21: {  	s11 =	simm.s32 $0x11080;
	s24 =	simm.s32 $0x11880;
	[smem:$0x7F5] =	sst s22  }
0x22: {  	s25 =	simm.s32 $0x12080;
	s26 =	simm.s32 $0x12880;
	[smem:$0x7F6] =	sst s23  }
0x23: {  	s12 =	simm.s32 $0x80;
	s14 =	simm.s32 $0x13880;
	[smem:$0x7F7] =	sst s7  }
0x24: {  	s15 =	simm.s32 $0x14080;
	s5 =	sadd.s32 s5, s1;
	[smem:$0x7F8] =	sst s8  }
0x25: {  	s3 =	sadd.s32 $0x1600, s1;
	s10 =	ssub.s32 s4, s6;
	[smem:$0x7F9] =	sst s9  }
0x26: {  	s4 =	sadd.s32 $0x1700, s1;
	s6 =	sadd.s32 $0x1900, s1;
	[smem:$0x7FA] =	sst s11  }
0x27: {  	s7 =	sadd.s32 $0x1A00, s1;
	s8 =	sadd.s32 $0x1B00, s1;
	[smem:$0x7FB] =	sst s24  }
0x28: {  	s9 =	sadd.s32 $0x1C00, s1;
	s11 =	simm.s32 $0x2;
	[smem:$0x7FC] =	sst s25  }
0x29: {  	[smem:$0x7FD] =	sst s26;
	s17 =	simm.s32 $0x15080;
	s18 =	simm.s32 $0x15880  }
0x2a: {  	s19 =	simm.s32 $0x16080;
	s20 =	simm.s32 $0x16880;
	s21 =	simm.s32 $0x17080  }
0x2b: {  	s22 =	simm.s32 $0x17880;
	s23 =	simm.s32 $0x18080;
	s24 =	simm.s32 $0x18880  }
0x2c: {  	s25 =	simm.s32 $0x19080;
	s26 =	simm.s32 $0x19880;
	s16 =	sadd.s32 $0xA2600, s5  }
0x2d: {  	v2 =	vlaneseq.u32;
	s5 =	simm.s32 $0x6080;
	s10 =	smax.u32 s10, $0x1;
	[dreg:$0x3] =	wrdreg s16  }
0x2e: {  	vm0 =	vmmov $0xffff;
	v1 =	vshrl.u32 v2, $0x3;
	[dreg:$0xf] =	wrdreg s5;
	s16 =	simm.s32 $0xB880;
	s5 =	sadd.s32 $0x1800, s1  }
0x2f: {  	v0 =	vand.u32 $0x7, v2;
	v2 =	vor.u32 $0x8, v2;
	v1 =	vmul.u32 $0x8, v1;
	s1 =	simm.s32 $0x1;
	[dreg:$0x1a] =	wrdreg s16;
	s16 =	simm.s32 $0x14880  }
.LBB2_1:
0x30: {  	s0 =	rddreg [dreg:$0x2]  }
0x31: {  	[tilespmem:s2], [sflag:$0x2] =	stream.linear.gather [hbm4b:s0+s2], $0x40, $0x38;
	[tilespmem:$0x1C080] =	vst v63  }
0x32: {  	_ =	swait.ge [sflag:s11], $0x40  }
0x33: {  	[sflag:s11] =	ssyncset.done $0x0  }
0x34: {  	[sflag:s11] =	ssyncadd.s32 $0xFFFFFFC0  }
0x35: {  	v3 =	vld [tilespmem:$0x0];
	_ =	sdelay $0x4  }
0x36: {  	v4 =	vshrl.u32 v3, $0x3  }
0x37: {  	v4 =	vmul.u32 $0x70, v4  }
0x38: {  	v3 =	vand.u32 $0x7, v3  }
0x39: {  	v3 =	vor.u32 v3, v4  }
0x3a: {  	v4 =	vperm.xlane v3, v0;
	_ =	sdelay $0x1  }
0x3b: {  	v4 =	vadd.s32 v1, v4;
	_ =	sdelay $0x4  }
0x3c: {  	[tilespmem:s12], [sflag:$0x1] =	stream.indirect_vreg.gather [hbm4b:s3+s2], $0x80, v4, vm0, $0xb8;
	[tilespmem:$0x1C080] =	vst v63  }
0x3d: {  	s0 =	rddreg [dreg:$0x4]  }
0x3e: {  	[tilespmem:s0], [sflag:$0x1] =	stream.indirect_vreg.gather [hbm4b:s4+s2], $0x80, v4, vm0, $0xb8;
	[tilespmem:$0x1C080] =	vst v63  }
0x3f: {  	s13 =	rddreg [dreg:$0x5]  }
0x40: {  	[tilespmem:s13], [sflag:$0x1] =	stream.indirect_vreg.gather [hbm4b:s5+s2], $0x80, v4, vm0, $0xb8;
	[tilespmem:$0x1C080] =	vst v63  }
0x41: {  	s0 =	rddreg [dreg:$0x6]  }
0x42: {  	[tilespmem:s0], [sflag:$0x1] =	stream.indirect_vreg.gather [hbm4b:s6+s2], $0x80, v4, vm0, $0xb8;
	[tilespmem:$0x1C080] =	vst v63  }
0x43: {  	v3 =	vperm.xlane v3, v2;
	s13 =	rddreg [dreg:$0x7]  }
0x44: {  	[tilespmem:s13], [sflag:$0x1] =	stream.indirect_vreg.gather [hbm4b:s7+s2], $0x80, v4, vm0, $0xb8;
	[tilespmem:$0x1C080] =	vst v63  }
0x45: {  	v3 =	vadd.s32 v1, v3;
	s0 =	rddreg [dreg:$0x8]  }
0x46: {  	[tilespmem:s0], [sflag:$0x1] =	stream.indirect_vreg.gather [hbm4b:s8+s2], $0x80, v4, vm0, $0xb8;
	[tilespmem:$0x1C080] =	vst v63  }
0x47: {  	s13 =	rddreg [dreg:$0x9]  }
0x48: {  	[tilespmem:s13], [sflag:$0x1] =	stream.indirect_vreg.gather [hbm4b:s9+s2], $0x80, v4, vm0, $0xb8;
	[tilespmem:$0x1C080] =	vst v63  }
0x49: {  	s0 =	rddreg [dreg:$0xa]  }
0x4a: {  	[tilespmem:s0], [sflag:$0x1] =	stream.indirect_vreg.gather [hbm4b:s3+s2], $0x80, v3, vm0, $0xb8;
	[tilespmem:$0x1C080] =	vst v63  }
0x4b: {  	s13 =	rddreg [dreg:$0xb]  }
0x4c: {  	[tilespmem:s13], [sflag:$0x1] =	stream.indirect_vreg.gather [hbm4b:s4+s2], $0x80, v3, vm0, $0xb8;
	[tilespmem:$0x1C080] =	vst v63  }
0x4d: {  	s0 =	rddreg [dreg:$0xc]  }
0x4e: {  	[tilespmem:s0], [sflag:$0x1] =	stream.indirect_vreg.gather [hbm4b:s5+s2], $0x80, v3, vm0, $0xb8;
	[tilespmem:$0x1C080] =	vst v63  }
0x4f: {  	s13 =	rddreg [dreg:$0xd]  }
0x50: {  	[tilespmem:s13], [sflag:$0x1] =	stream.indirect_vreg.gather [hbm4b:s6+s2], $0x80, v3, vm0, $0xb8;
	[tilespmem:$0x1C080] =	vst v63  }
0x51: {  	s0 =	rddreg [dreg:$0xe]  }
0x52: {  	[tilespmem:s0], [sflag:$0x1] =	stream.indirect_vreg.gather [hbm4b:s7+s2], $0x80, v3, vm0, $0xb8;
	[tilespmem:$0x1C080] =	vst v63  }
0x53: {  	s13 =	rddreg [dreg:$0xf]  }
0x54: {  	[tilespmem:s13], [sflag:$0x1] =	stream.indirect_vreg.gather [hbm4b:s8+s2], $0x80, v3, vm0, $0xb8;
	[tilespmem:$0x1C080] =	vst v63  }
0x55: {  	s0 =	rddreg [dreg:$0x10]  }
0x56: {  	[tilespmem:s0], [sflag:$0x1] =	stream.indirect_vreg.gather [hbm4b:s9+s2], $0x80, v3, vm0, $0xb8;
	[tilespmem:$0x1C080] =	vst v63  }
0x57: {  	v3 =	vld [tilespmem:$0x10];
	_ =	sdelay $0x4  }
0x58: {  	v61 =	vshrl.u32 v3, $0x3  }
0x59: {  	v4 =	vmul.u32 $0x70, v61  }
0x5a: {  	v3 =	vand.u32 $0x7, v3  }
0x5b: {  	v3 =	vor.u32 v3, v4  }
0x5c: {  	v4 =	vperm.xlane v3, v0;
	_ =	sdelay $0x1  }
0x5d: {  	v4 =	vadd.s32 v1, v4;
	_ =	sdelay $0x3  }
0x5e: {  	s0 =	rddreg [dreg:$0x11]  }
0x5f: {  	[tilespmem:s0], [sflag:$0x1] =	stream.indirect_vreg.gather [hbm4b:s3+s2], $0x80, v4, vm0, $0xb8;
	[tilespmem:$0x1C080] =	vst v63  }
0x60: {  	s13 =	rddreg [dreg:$0x12]  }
0x61: {  	[tilespmem:s13], [sflag:$0x1] =	stream.indirect_vreg.gather [hbm4b:s4+s2], $0x80, v4, vm0, $0xb8;
	[tilespmem:$0x1C080] =	vst v63  }
0x62: {  	s0 =	rddreg [dreg:$0x13]  }
0x63: {  	[tilespmem:s0], [sflag:$0x1] =	stream.indirect_vreg.gather [hbm4b:s5+s2], $0x80, v4, vm0, $0xb8;
	[tilespmem:$0x1C080] =	vst v63  }
0x64: {  	s13 =	rddreg [dreg:$0x14]  }
0x65: {  	[tilespmem:s13], [sflag:$0x1] =	stream.indirect_vreg.gather [hbm4b:s6+s2], $0x80, v4, vm0, $0xb8;
	[tilespmem:$0x1C080] =	vst v63  }
0x66: {  	v3 =	vperm.xlane v3, v2;
	s0 =	rddreg [dreg:$0x15]  }
0x67: {  	[tilespmem:s0], [sflag:$0x1] =	stream.indirect_vreg.gather [hbm4b:s7+s2], $0x80, v4, vm0, $0xb8;
	[tilespmem:$0x1C080] =	vst v63  }
0x68: {  	v3 =	vadd.s32 v1, v3;
	s13 =	rddreg [dreg:$0x16]  }
0x69: {  	[tilespmem:s13], [sflag:$0x1] =	stream.indirect_vreg.gather [hbm4b:s8+s2], $0x80, v4, vm0, $0xb8;
	[tilespmem:$0x1C080] =	vst v63  }
0x6a: {  	s0 =	rddreg [dreg:$0x17]  }
0x6b: {  	[tilespmem:s0], [sflag:$0x1] =	stream.indirect_vreg.gather [hbm4b:s9+s2], $0x80, v4, vm0, $0xb8;
	[tilespmem:$0x1C080] =	vst v63  }
0x6c: {  	s13 =	rddreg [dreg:$0x18]  }
0x6d: {  	[tilespmem:s13], [sflag:$0x1] =	stream.indirect_vreg.gather [hbm4b:s3+s2], $0x80, v3, vm0, $0xb8;
	[tilespmem:$0x1C080] =	vst v63  }
0x6e: {  	s0 =	rddreg [dreg:$0x19]  }
0x6f: {  	[tilespmem:s0], [sflag:$0x1] =	stream.indirect_vreg.gather [hbm4b:s4+s2], $0x80, v3, vm0, $0xb8;
	[tilespmem:$0x1C080] =	vst v63  }
0x70: {  	s13 =	rddreg [dreg:$0x1a]  }
0x71: {  	[tilespmem:s13], [sflag:$0x1] =	stream.indirect_vreg.gather [hbm4b:s5+s2], $0x80, v3, vm0, $0xb8;
	[tilespmem:$0x1C080] =	vst v63  }
0x72: {  	s0 =	rddreg [dreg:$0x1b]  }
0x73: {  	[tilespmem:s0], [sflag:$0x1] =	stream.indirect_vreg.gather [hbm4b:s6+s2], $0x80, v3, vm0, $0xb8;
	[tilespmem:$0x1C080] =	vst v63  }
0x74: {  	s13 =	rddreg [dreg:$0x1c]  }
0x75: {  	[tilespmem:s13], [sflag:$0x1] =	stream.indirect_vreg.gather [hbm4b:s7+s2], $0x80, v3, vm0, $0xb8;
	[tilespmem:$0x1C080] =	vst v63  }
0x76: {  	s0 =	rddreg [dreg:$0x1d]  }
0x77: {  	[tilespmem:s0], [sflag:$0x1] =	stream.indirect_vreg.gather [hbm4b:s8+s2], $0x80, v3, vm0, $0xb8;
	[tilespmem:$0x1C080] =	vst v63  }
0x78: {  	s13 =	rddreg [dreg:$0x1e]  }
0x79: {  	[tilespmem:s13], [sflag:$0x1] =	stream.indirect_vreg.gather [hbm4b:s9+s2], $0x80, v3, vm0, $0xb8;
	[tilespmem:$0x1C080] =	vst v63  }
0x7a: {  	v3 =	vld [tilespmem:$0x20];
	_ =	sdelay $0x4  }
0x7b: {  	v62 =	vshrl.u32 v3, $0x3  }
0x7c: {  	v4 =	vmul.u32 $0x70, v62  }
0x7d: {  	v3 =	vand.u32 $0x7, v3  }
0x7e: {  	v3 =	vor.u32 v3, v4  }
0x7f: {  	v4 =	vperm.xlane v3, v0;
	_ =	sdelay $0x1  }
0x80: {  	v4 =	vadd.s32 v1, v4;
	_ =	sdelay $0x2  }
0x81: {  	s0 =	rddreg [dreg:$0x1f]  }
0x82: {  	s13 =	sld [smem:$0x7F5]  }
0x83: {  	[tilespmem:s0], [sflag:$0x1] =	stream.indirect_vreg.gather [hbm4b:s3+s2], $0x80, v4, vm0, $0xb8;
	[tilespmem:$0x1C080] =	vst v63  }
0x84: {  	s0 =	sld [smem:$0x7F6]  }
0x85: {  	[tilespmem:s13], [sflag:$0x1] =	stream.indirect_vreg.gather [hbm4b:s4+s2], $0x80, v4, vm0, $0xb8;
	[tilespmem:$0x1C080] =	vst v63  }
0x86: {  	s13 =	sld [smem:$0x7F7]  }
0x87: {  	[tilespmem:s0], [sflag:$0x1] =	stream.indirect_vreg.gather [hbm4b:s5+s2], $0x80, v4, vm0, $0xb8;
	[tilespmem:$0x1C080] =	vst v63  }
0x88: {  	s0 =	sld [smem:$0x7F8]  }
0x89: {  	[tilespmem:s13], [sflag:$0x1] =	stream.indirect_vreg.gather [hbm4b:s6+s2], $0x80, v4, vm0, $0xb8;
	[tilespmem:$0x1C080] =	vst v63  }
0x8a: {  	v3 =	vperm.xlane v3, v2;
	s13 =	sld [smem:$0x7F9]  }
0x8b: {  	[tilespmem:s0], [sflag:$0x1] =	stream.indirect_vreg.gather [hbm4b:s7+s2], $0x80, v4, vm0, $0xb8;
	[tilespmem:$0x1C080] =	vst v63  }
0x8c: {  	v3 =	vadd.s32 v1, v3;
	s0 =	sld [smem:$0x7FA]  }
0x8d: {  	[tilespmem:s13], [sflag:$0x1] =	stream.indirect_vreg.gather [hbm4b:s8+s2], $0x80, v4, vm0, $0xb8;
	[tilespmem:$0x1C080] =	vst v63  }
0x8e: {  	s13 =	sld [smem:$0x7FB]  }
0x8f: {  	[tilespmem:s0], [sflag:$0x1] =	stream.indirect_vreg.gather [hbm4b:s9+s2], $0x80, v4, vm0, $0xb8;
	[tilespmem:$0x1C080] =	vst v63  }
0x90: {  	s0 =	sld [smem:$0x7FC]  }
0x91: {  	[tilespmem:s13], [sflag:$0x1] =	stream.indirect_vreg.gather [hbm4b:s3+s2], $0x80, v3, vm0, $0xb8;
	[tilespmem:$0x1C080] =	vst v63  }
0x92: {  	s13 =	sld [smem:$0x7FD]  }
0x93: {  	[tilespmem:s0], [sflag:$0x1] =	stream.indirect_vreg.gather [hbm4b:s4+s2], $0x80, v3, vm0, $0xb8;
	[tilespmem:$0x1C080] =	vst v63  }
0x94: {  	_ = 	snop  }
0x95: {  	[tilespmem:s13], [sflag:$0x1] =	stream.indirect_vreg.gather [hbm4b:s5+s2], $0x80, v3, vm0, $0xb8;
	[tilespmem:$0x1C080] =	vst v63  }
0x96: {  	s13 =	simm.s32 $0x13080  }
0x97: {  	[tilespmem:s13], [sflag:$0x1] =	stream.indirect_vreg.gather [hbm4b:s6+s2], $0x80, v3, vm0, $0xb8;
	[tilespmem:$0x1C080] =	vst v63  }
0x98: {  	_ = 	snop  }
0x99: {  	[tilespmem:s14], [sflag:$0x1] =	stream.indirect_vreg.gather [hbm4b:s7+s2], $0x80, v3, vm0, $0xb8;
	[tilespmem:$0x1C080] =	vst v63  }
0x9a: {  	_ = 	snop  }
0x9b: {  	[tilespmem:s15], [sflag:$0x1] =	stream.indirect_vreg.gather [hbm4b:s8+s2], $0x80, v3, vm0, $0xb8;
	[tilespmem:$0x1C080] =	vst v63  }
0x9c: {  	_ = 	snop  }
0x9d: {  	[tilespmem:s16], [sflag:$0x1] =	stream.indirect_vreg.gather [hbm4b:s9+s2], $0x80, v3, vm0, $0xb8;
	[tilespmem:$0x1C080] =	vst v63  }
0x9e: {  	v3 =	vld [tilespmem:$0x30];
	_ =	sdelay $0x4  }
0x9f: {  	v63 =	vshrl.u32 v3, $0x3  }
0xa0: {  	v4 =	vmul.u32 $0x70, v63  }
0xa1: {  	v3 =	vand.u32 $0x7, v3  }
0xa2: {  	v3 =	vor.u32 v3, v4  }
0xa3: {  	v4 =	vperm.xlane v3, v0;
	_ =	sdelay $0x1  }
0xa4: {  	v4 =	vadd.s32 v1, v4;
	_ =	sdelay $0x4  }
0xa5: {  	[tilespmem:s17], [sflag:$0x1] =	stream.indirect_vreg.gather [hbm4b:s3+s2], $0x80, v4, vm0, $0xb8;
	[tilespmem:$0x1C080] =	vst v63  }
0xa6: {  	_ = 	snop  }
0xa7: {  	[tilespmem:s18], [sflag:$0x1] =	stream.indirect_vreg.gather [hbm4b:s4+s2], $0x80, v4, vm0, $0xb8;
	[tilespmem:$0x1C080] =	vst v63  }
0xa8: {  	_ = 	snop  }
0xa9: {  	[tilespmem:s19], [sflag:$0x1] =	stream.indirect_vreg.gather [hbm4b:s5+s2], $0x80, v4, vm0, $0xb8;
	[tilespmem:$0x1C080] =	vst v63  }
0xaa: {  	_ = 	snop  }
0xab: {  	[tilespmem:s20], [sflag:$0x1] =	stream.indirect_vreg.gather [hbm4b:s6+s2], $0x80, v4, vm0, $0xb8;
	[tilespmem:$0x1C080] =	vst v63  }
0xac: {  	v3 =	vperm.xlane v3, v2  }
0xad: {  	[tilespmem:s21], [sflag:$0x1] =	stream.indirect_vreg.gather [hbm4b:s7+s2], $0x80, v4, vm0, $0xb8;
	[tilespmem:$0x1C080] =	vst v63  }
0xae: {  	v3 =	vadd.s32 v1, v3  }
0xaf: {  	[tilespmem:s22], [sflag:$0x1] =	stream.indirect_vreg.gather [hbm4b:s8+s2], $0x80, v4, vm0, $0xb8;
	[tilespmem:$0x1C080] =	vst v63  }
0xb0: {  	_ = 	snop  }
0xb1: {  	[tilespmem:s23], [sflag:$0x1] =	stream.indirect_vreg.gather [hbm4b:s9+s2], $0x80, v4, vm0, $0xb8;
	[tilespmem:$0x1C080] =	vst v63  }
0xb2: {  	_ = 	snop  }
0xb3: {  	[tilespmem:s24], [sflag:$0x1] =	stream.indirect_vreg.gather [hbm4b:s3+s2], $0x80, v3, vm0, $0xb8;
	[tilespmem:$0x1C080] =	vst v63  }
0xb4: {  	_ = 	snop  }
0xb5: {  	[tilespmem:s25], [sflag:$0x1] =	stream.indirect_vreg.gather [hbm4b:s4+s2], $0x80, v3, vm0, $0xb8;
	[tilespmem:$0x1C080] =	vst v63  }
0xb6: {  	_ = 	snop  }
0xb7: {  	[tilespmem:s26], [sflag:$0x1] =	stream.indirect_vreg.gather [hbm4b:s5+s2], $0x80, v3, vm0, $0xb8;
	[tilespmem:$0x1C080] =	vst v63  }
0xb8: {  	_ = 	snop  }
0xb9: {  	[tilespmem:s28], [sflag:$0x1] =	stream.indirect_vreg.gather [hbm4b:s6+s2], $0x80, v3, vm0, $0xb8;
	[tilespmem:$0x1C080] =	vst v63  }
0xba: {  	_ = 	snop  }
0xbb: {  	[tilespmem:s29], [sflag:$0x1] =	stream.indirect_vreg.gather [hbm4b:s7+s2], $0x80, v3, vm0, $0xb8;
	[tilespmem:$0x1C080] =	vst v63  }
0xbc: {  	_ = 	snop  }
0xbd: {  	[tilespmem:s30], [sflag:$0x1] =	stream.indirect_vreg.gather [hbm4b:s8+s2], $0x80, v3, vm0, $0xb8;
	[tilespmem:$0x1C080] =	vst v63  }
0xbe: {  	_ = 	snop  }
0xbf: {  	[tilespmem:s31], [sflag:$0x1] =	stream.indirect_vreg.gather [hbm4b:s9+s2], $0x80, v3, vm0, $0xb8;
	[tilespmem:$0x1C080] =	vst v63  }
0xc0: {  	_ =	swait.ge [sflag:s1], $0x1C000  }
0xc1: {  	p0 =	sne.s32 s10, $0x1;
	[sflag:s1] =	ssyncset.done $0x0  }
.Ltmp0:
0xc2: {  	s13 =	rddreg [dreg:$0x3];
	[sflag:s1] =	ssyncadd.s32 $0xFFFE4000;
	(pc) =	sbr.rel @p0 .LBB2_1-.Ltmp0, $4  }
0xc3: {  	[hbm4b:s13+s2] =	stream.linear.scatter [tilespmem:s12], [sflag:$0x2], $0x1C000, $0x38;
	[tilespmem:$0x1C080] =	vst v63  }
0xc4: {  	_ =	swait.ge [sflag:s11], $0x1C000  }
0xc5: {  	[sflag:s11] =	ssyncset.done $0x0  }
0xc6: {  	s10 =	sadd.s32 $0xFFFFFFFF, s10;
	[sflag:s11] =	ssyncadd.s32 $0xFFFE4000  }
0xc7: {  	_ =	sfence.sel $0x180000  }
0xc8: {  	[bflag:$0x0] =	sbarrier.arrive $0xFFFF  }
0xc9: {  	_ =	strace $0x9000004A  }
0xca: {  	s0 =	stileid.u32;
	[bflag:$0x2] =	sbarrier.arrive $0xFFFF  }
0xcb: {  	p0 =	sne.s32 s0, $0x0;
	s0 =	rddreg [dreg:$0x1]  }
0xcc: {  	s0 =	sadd.s32 @!p0 $0x100000, s0  }
0xcd: {  	[sflag:s0] =	ssyncadd.tile.s32 @!p0 $0x1;
	_ =	shalt  }
.Lfunc_end2:
_tile_overlayer_lowered:
.L_overlay_start_2:
0xce: {  	(tag) =	ssettag $0x2  }
0xcf: {  	s0 =	rddreg [dreg:$0x0];
	s2 =	stileid.u32  }
0xd0: {  	s1 =	rddreg [dreg:$0x1];
	p0 =	sne.s32 s2, $0x0  }
0xd1: {  	s3 =	rddreg [dreg:$0x2];
	[bflag:$0x3] =	sbarrier.arrive $0xFFFF;
	s2 =	simm.s32 @!p0 $0x1C02  }
0xd2: {  	[timem:s3], [sflag:s2] =	dma.local @!p0 [hbm:s0], s1  }
0xd3: {  	s0 =	simm.s32 @!p0 $0x2  }
0xd4: {  	_ =	swait.ge @!p0 [sflag:s0], s1  }
0xd5: {  	s1 =	ssub.s32 @!p0 $0x0, s1;
	[sflag:s0] =	ssyncset.done @!p0 $0x0  }
0xd6: {  	[sflag:s0] =	ssyncadd.s32 @!p0 s1  }
0xd7: {  	[bflag:$0x3] =	sbarrier.arrive $0xFFFF  }
0xd8: {  	_ =	shalt  }

</sc_bundles>
